<compile_context>
chip_gen: v7x
topology: tpu7x:2x2x1
jax: 0.10.2.dev20260603
libtpu: 0.0.44.dev20260713+nightly
codegen_flags: <defaults>
</compile_context>

<pallas_src>
import functools

import jax
import jax.numpy as jnp
from jax import lax
from jax.experimental import pallas as pl
from jax.experimental.pallas import tpu as pltpu
from jax.experimental.pallas import tpu_sc as plsc

D = 64
D3 = 3 * D
B = 16384
REG = 0.01

NC = 2
NS = 16
NW = NC * NS
BPW = B // NW
NT = 1000000 // 8


def _gather_body(idx_p, idx_q, idx_r, tab_p, tab_q, tab_r,
                 out_p, out_q, out_r, idx_v, rows_v, sem):
    wid = lax.axis_index("s") * NC + lax.axis_index("c")
    base = wid * BPW
    for idx_hbm, table, out in ((idx_p, tab_p, out_p),
                                (idx_q, tab_q, out_q),
                                (idx_r, tab_r, out_r)):
        pltpu.sync_copy(idx_hbm.at[pl.ds(base, BPW)], idx_v)

        def fire(g, _, table=table):
            v = idx_v[pl.ds(g * 16, 16)]
            ts = lax.shift_right_logical(v, 3)
            ss = lax.bitwise_and(v, 7)
            for j in range(16):
                pltpu.make_async_copy(
                    table.at[pl.ds(ts[j], 1), pl.ds(ss[j], 1)],
                    rows_v.at[pl.ds(g * 16 + j, 1)], sem).start()
            return 0

        lax.fori_loop(0, BPW // 16, fire, 0)
        pltpu.make_async_copy(table.at[pl.ds(0, BPW), pl.ds(0, 1)], rows_v,
                              sem).wait()
        pltpu.sync_copy(rows_v, out.at[pl.ds(base, BPW)])


@functools.cache
def _sc_gather():
    return pl.kernel(
        _gather_body,
        out_type=[jax.ShapeDtypeStruct((B, 1, D), jnp.float32)] * 3,
        mesh=plsc.VectorSubcoreMesh(core_axis_name="c", subcore_axis_name="s"),
        scratch_types=[
            pltpu.VMEM((BPW,), jnp.int32),
            pltpu.VMEM((BPW, 1, D), jnp.float32),
            pltpu.SemaphoreType.DMA,
        ],
    )


BB = 4096
NB = B // BB


def _mlp_body(xp_ref, xq_ref, xr_ref, w1t_ref, b1_ref, w2t_ref, b2_ref,
              inf_ref, regs_ref, acc_ref):
    i = pl.program_id(0)
    w1t = w1t_ref[...]
    n1 = jnp.sqrt(jnp.sum(w1t * w1t, axis=0, keepdims=True))
    w1tc = w1t / jnp.maximum(n1, 1.0)
    w2t = w2t_ref[...]
    n2 = jnp.sqrt(jnp.sum(w2t * w2t))
    w2tc = w2t / jnp.maximum(n2, 1.0)

    xp = xp_ref[...]
    xq = xq_ref[...]
    xr = xr_ref[...]

    dn = (((1,), (0,)), ((), ()))
    x = jnp.concatenate([xp, xq, xr], axis=1)
    acc = lax.dot_general(x, w1tc, dn,
                          preferred_element_type=jnp.float32)
    h = jax.nn.sigmoid(acc + b1_ref[...])
    inf = lax.dot_general(h, w2tc, dn,
                          preferred_element_type=jnp.float32)
    inf_ref[...] = inf + b2_ref[...]

    sp = jnp.sum(xp * xp)
    sq = jnp.sum(xq * xq)
    sr = jnp.sum(xr * xr)

    @pl.when(i == 0)
    def _():
        acc_ref[0] = sp
        acc_ref[1] = sq
        acc_ref[2] = sr

    @pl.when(i > 0)
    def _():
        acc_ref[0] += sp
        acc_ref[1] += sq
        acc_ref[2] += sr

    @pl.when(i == NB - 1)
    def _():
        regs = REG * (jnp.sqrt(acc_ref[0]) + jnp.sqrt(acc_ref[1]) +
                      jnp.sqrt(acc_ref[2]))
        regs_ref[...] = jnp.broadcast_to(regs, (1, 1))


def _mlp(xp, xq, xr, W1t, b1_row, W2t, b2_2d):
    x_spec = pl.BlockSpec((BB, D), lambda i: (i, 0))
    return pl.pallas_call(
        _mlp_body,
        grid=(NB,),
        in_specs=[x_spec, x_spec, x_spec,
                  pl.BlockSpec((D3, D3), lambda i: (0, 0)),
                  pl.BlockSpec((1, D3), lambda i: (0, 0)),
                  pl.BlockSpec((D3, 1), lambda i: (0, 0)),
                  pl.BlockSpec((1, 1), lambda i: (0, 0))],
        out_specs=(pl.BlockSpec((BB, 1), lambda i: (i, 0)),
                   pl.BlockSpec((1, 1), lambda i: (0, 0))),
        out_shape=(jax.ShapeDtypeStruct((B, 1), jnp.float32),
                   jax.ShapeDtypeStruct((1, 1), jnp.float32)),
        scratch_shapes=[pltpu.SMEM((3,), jnp.float32)],
    )(xp, xq, xr, W1t, b1_row, W2t, b2_2d)


def kernel(ps, qs, rs, table_p, table_q, table_r, W1, b1, W2, b2):
    xp3, xq3, xr3 = _sc_gather()(
        ps.astype(jnp.int32), qs.astype(jnp.int32), rs.astype(jnp.int32),
        table_p.reshape(NT, 8, D), table_q.reshape(NT, 8, D),
        table_r.reshape(NT, 8, D))
    xp = xp3.reshape(B, D)
    xq = xq3.reshape(B, D)
    xr = xr3.reshape(B, D)
    inf, regs = _mlp(xp, xq, xr, W1.T, b1.reshape(1, D3), W2.T,
                     b2.reshape(1, 1))
    return inf, regs[0, 0]

# --- scband reference (transcript-rebuilt; emitter-appended) ---
"""Pipeline reference for scband-auto-neural-triple-22136261444366 (READ-ONLY COPY).

The authoritative reference and input builder live on the scoring server;
editing this copy changes nothing except your own understanding.
"""

import jax, jax.numpy as jnp
import numpy as np

NUM_PS = 1000000
NUM_QS = 1000000
NUM_RS = 1000000
D = 64
B = 16384
REG = 0.01


def constrain(w):
    # row-wise L2 norm clipping: divide rows whose norm > 1 by their norm
    n = jnp.linalg.norm(w, axis=1, keepdims=True)
    return w / jnp.maximum(n, 1.0)


def setup_inputs(seed: int = 0) -> dict:
    key = jax.random.key(seed)
    ks = jax.random.split(key, 10)
    d3 = 3 * D
    lim1 = 1.0 / np.sqrt(d3)
    return {
        "ps": jax.random.randint(ks[0], (B,), 0, NUM_PS, dtype=jnp.int64 if jax.config.jax_enable_x64 else jnp.int32),
        "qs": jax.random.randint(ks[1], (B,), 0, NUM_QS, dtype=jnp.int64 if jax.config.jax_enable_x64 else jnp.int32),
        "rs": jax.random.randint(ks[2], (B,), 0, NUM_RS, dtype=jnp.int64 if jax.config.jax_enable_x64 else jnp.int32),
        "table_p": jax.random.normal(ks[3], (NUM_PS, D), dtype=jnp.float32),
        "table_q": jax.random.normal(ks[4], (NUM_QS, D), dtype=jnp.float32),
        "table_r": jax.random.normal(ks[5], (NUM_RS, D), dtype=jnp.float32),
        "W1": jax.random.uniform(ks[6], (d3, d3), dtype=jnp.float32, minval=-lim1, maxval=lim1),
        "b1": jnp.zeros((d3,), dtype=jnp.float32),
        "W2": jax.random.uniform(ks[7], (1, d3), dtype=jnp.float32, minval=-lim1, maxval=lim1),
        "b2": jnp.zeros((1,), dtype=jnp.float32),
    }


def reference(ps, qs, rs, table_p, table_q, table_r, W1, b1, W2, b2):
    # in torch, constrain() mutates weight .data before the matmuls
    W1c = constrain(W1)
    W2c = constrain(W2)
    ps_emb = jnp.take(table_p, ps, axis=0)
    qs_emb = jnp.take(table_q, qs, axis=0)
    rs_emb = jnp.take(table_r, rs, axis=0)
    x = jnp.concatenate([ps_emb, qs_emb, rs_emb], axis=-1)
    h = jax.nn.sigmoid(x @ W1c.T + b1)
    inferences = h @ W2c.T + b2
    regs = REG * (jnp.linalg.norm(ps_emb) + jnp.linalg.norm(qs_emb) + jnp.linalg.norm(rs_emb))
    return inferences, regs

if __name__ == "__main__":
    import jax
    _d = setup_inputs()
    print(jax.jit(kernel)(*tuple(_d.values())))

</pallas_src>

<mosaic_0001>
#map = affine_map<(d0, d1) -> (0)>
#map1 = affine_map<(d0, d1) -> (0, 0, 0)>
module attributes {stable_mosaic.version = 14 : i64} {
  func.func @_gather_body(%arg0: i32, %arg1: i32, %arg2: memref<16384xi32, #tpu.memory_space<hbm>>, %arg3: memref<16384xi32, #tpu.memory_space<hbm>>, %arg4: memref<16384xi32, #tpu.memory_space<hbm>>, %arg5: memref<125000x8x64xf32, #tpu.memory_space<hbm>>, %arg6: memref<125000x8x64xf32, #tpu.memory_space<hbm>>, %arg7: memref<125000x8x64xf32, #tpu.memory_space<hbm>>, %arg8: memref<16384x1x64xf32, #tpu.memory_space<hbm>>, %arg9: memref<16384x1x64xf32, #tpu.memory_space<hbm>>, %arg10: memref<16384x1x64xf32, #tpu.memory_space<hbm>>, %arg11: memref<512xi32, #tpu.memory_space<vmem>>, %arg12: memref<512x1x64xf32, #tpu.memory_space<vmem>>, %arg13: memref<!tpu.dma_semaphore, #tpu.memory_space<semaphore_mem>>) attributes {dimension_semantics = [#tpu.dimension_semantics<core_parallel>, #tpu.dimension_semantics<subcore_parallel>], iteration_bounds = array<i64: 2, 16>, scalar_prefetch = 0 : i64, scratch_operands = 3 : i64, tpu.core_type = #tpu.core_type<sc_vector_subcore>, window_params = [{transform_indices = #map}, {transform_indices = #map}, {transform_indices = #map}, {transform_indices = #map1}, {transform_indices = #map1}, {transform_indices = #map1}, {transform_indices = #map1}, {transform_indices = #map1}, {transform_indices = #map1}]} {
    %mul3A = arith.constant 2 : i32
    %mul3A_0 = arith.muli %arg1, %mul3A : i32
    %add3A = arith.addi %mul3A_0, %arg0 : i32
    %mul3A_1 = arith.constant 512 : i32
    %mul3A_2 = arith.muli %add3A, %mul3A_1 : i32
    "tpu.region"() ({
      %run_scoped3A = tpu.sem_alloc : memref<!tpu.dma_semaphore, #tpu.memory_space<semaphore_mem>>
      %dma_start3A = tpu.memref_slice %arg2[%mul3A_2] : memref<16384xi32, #tpu.memory_space<hbm>> -> memref<512xi32, #tpu.memory_space<hbm>>
      %dma_start3A_46 = tpu.memref_slice %arg2[%mul3A_2] : memref<16384xi32, #tpu.memory_space<hbm>> -> memref<512xi32, #tpu.memory_space<hbm>>
      tpu.enqueue_dma source(%dma_start3A_46 : memref<512xi32, #tpu.memory_space<hbm>>) target(%arg11 : memref<512xi32, #tpu.memory_space<vmem>>) target_semaphore(%run_scoped3A : memref<!tpu.dma_semaphore, #tpu.memory_space<semaphore_mem>>)
      %dma_wait3A_47 = tpu.memref_slice %arg2[%mul3A_2] : memref<16384xi32, #tpu.memory_space<hbm>> -> memref<512xi32, #tpu.memory_space<hbm>>
      %dma_wait3A_48 = tpu.memref_slice %arg2[%mul3A_2] : memref<16384xi32, #tpu.memory_space<hbm>> -> memref<512xi32, #tpu.memory_space<hbm>>
      tpu.wait_dma2 semaphore(%run_scoped3A : memref<!tpu.dma_semaphore, #tpu.memory_space<semaphore_mem>>) src(%dma_wait3A_48 : memref<512xi32, #tpu.memory_space<hbm>>) dst(%arg11 : memref<512xi32, #tpu.memory_space<vmem>>)
      tpu.yield
    }) : () -> ()
    %scan3A = arith.constant 0 : i32
    %scan3A_3 = arith.constant 0 : i32
    %scan3A_4 = arith.constant 32 : i32
    %scan3A_5 = arith.addi %scan3A_3, %scan3A_4 : i32
    %scan3A_6 = arith.constant 1 : i32
    %scan3A_7 = scf.for %scan3A_46 = %scan3A_3 to %scan3A_5 step %scan3A_6 iter_args(%scan3A_47 = %scan3A) -> (i32)  : i32 {
      %mul3A_48 = arith.constant 16 : i32
      %mul3A_49 = arith.muli %scan3A_46, %mul3A_48 : i32
      %get3A = arith.index_cast %mul3A_49 : i32 to index
      %get3A_50 = tpu.vector_load %arg11[%get3A] {strides = array<i32>} : memref<512xi32, #tpu.memory_space<vmem>>, vector<16xi32>,
      %get3A_51 = vector.shape_cast %get3A_50 : vector<16xi32> to vector<16xi32>
      %shift_right_logical3A = arith.constant 3 : i32
      %shift_right_logical3A_52 = vector.broadcast %shift_right_logical3A : i32 to vector<16xi32>
      %shift_right_logical3A_53 = arith.shrui %get3A_51, %shift_right_logical3A_52 : vector<16xi32>
      %and3A = arith.constant 7 : i32
      %and3A_54 = vector.broadcast %and3A : i32 to vector<16xi32>
      %and3A_55 = arith.andi %get3A_51, %and3A_54 : vector<16xi32>
      %slice3A = vector.extract_strided_slice %shift_right_logical3A_53 {offsets = [0], sizes = [1], strides = [1]} : vector<16xi32> to vector<1xi32>
      %squeeze3A = vector.extract %slice3A[0] : i32 from vector<1xi32>
      %slice3A_56 = vector.extract_strided_slice %and3A_55 {offsets = [0], sizes = [1], strides = [1]} : vector<16xi32> to vector<1xi32>
      %squeeze3A_57 = vector.extract %slice3A_56[0] : i32 from vector<1xi32>
      %mul3A_58 = arith.constant 16 : i32
      %mul3A_59 = arith.muli %scan3A_46, %mul3A_58 : i32
      %add3A_60 = arith.constant 0 : i32
      %add3A_61 = arith.addi %mul3A_59, %add3A_60 : i32
      %dma_start3A = arith.constant 0 : i32
      %dma_start3A_62 = arith.constant 0 : i32
      %dma_start3A_63 = tpu.memref_slice %arg12[%add3A_61, %dma_start3A, %dma_start3A_62] : memref<512x1x64xf32, #tpu.memory_space<vmem>> -> memref<1x1x64xf32, #tpu.memory_space<vmem>>
      %dma_start3A_64 = arith.constant 0 : i32
      %dma_start3A_65 = tpu.memref_slice %arg5[%squeeze3A, %squeeze3A_57, %dma_start3A_64] : memref<125000x8x64xf32, #tpu.memory_space<hbm>> -> memref<1x1x64xf32, #tpu.memory_space<hbm>>
      %dma_start3A_66 = arith.constant 0 : i32
      %dma_start3A_67 = arith.constant 0 : i32
      %dma_start3A_68 = tpu.memref_slice %arg12[%add3A_61, %dma_start3A_66, %dma_start3A_67] : memref<512x1x64xf32, #tpu.memory_space<vmem>> -> memref<1x1x64xf32, #tpu.memory_space<vmem>>
      %dma_start3A_69 = arith.constant 0 : i32
      %dma_start3A_70 = tpu.memref_slice %arg5[%squeeze3A, %squeeze3A_57, %dma_start3A_69] : memref<125000x8x64xf32, #tpu.memory_space<hbm>> -> memref<1x1x64xf32, #tpu.memory_space<hbm>>
      tpu.enqueue_dma source(%dma_start3A_70 : memref<1x1x64xf32, #tpu.memory_space<hbm>>) target(%dma_start3A_68 : memref<1x1x64xf32, #tpu.memory_space<vmem>>) target_semaphore(%arg13 : memref<!tpu.dma_semaphore, #tpu.memory_space<semaphore_mem>>)
      %slice3A_71 = vector.extract_strided_slice %shift_right_logical3A_53 {offsets = [1], sizes = [1], strides = [1]} : vector<16xi32> to vector<1xi32>
      %squeeze3A_72 = vector.extract %slice3A_71[0] : i32 from vector<1xi32>
      %slice3A_73 = vector.extract_strided_slice %and3A_55 {offsets = [1], sizes = [1], strides = [1]} : vector<16xi32> to vector<1xi32>
      %squeeze3A_74 = vector.extract %slice3A_73[0] : i32 from vector<1xi32>
      %mul3A_75 = arith.constant 16 : i32
      %mul3A_76 = arith.muli %scan3A_46, %mul3A_75 : i32
      %add3A_77 = arith.constant 1 : i32
      %add3A_78 = arith.addi %mul3A_76, %add3A_77 : i32
      %dma_start3A_79 = arith.constant 0 : i32
      %dma_start3A_80 = arith.constant 0 : i32
      %dma_start3A_81 = tpu.memref_slice %arg12[%add3A_78, %dma_start3A_79, %dma_start3A_80] : memref<512x1x64xf32, #tpu.memory_space<vmem>> -> memref<1x1x64xf32, #tpu.memory_space<vmem>>
      %dma_start3A_82 = arith.constant 0 : i32
      %dma_start3A_83 = tpu.memref_slice %arg5[%squeeze3A_72, %squeeze3A_74, %dma_start3A_82] : memref<125000x8x64xf32, #tpu.memory_space<hbm>> -> memref<1x1x64xf32, #tpu.memory_space<hbm>>
      %dma_start3A_84 = arith.constant 0 : i32
      %dma_start3A_85 = arith.constant 0 : i32
      %dma_start3A_86 = tpu.memref_slice %arg12[%add3A_78, %dma_start3A_84, %dma_start3A_85] : memref<512x1x64xf32, #tpu.memory_space<vmem>> -> memref<1x1x64xf32, #tpu.memory_space<vmem>>
      %dma_start3A_87 = arith.constant 0 : i32
      %dma_start3A_88 = tpu.memref_slice %arg5[%squeeze3A_72, %squeeze3A_74, %dma_start3A_87] : memref<125000x8x64xf32, #tpu.memory_space<hbm>> -> memref<1x1x64xf32, #tpu.memory_space<hbm>>
      tpu.enqueue_dma source(%dma_start3A_88 : memref<1x1x64xf32, #tpu.memory_space<hbm>>) target(%dma_start3A_86 : memref<1x1x64xf32, #tpu.memory_space<vmem>>) target_semaphore(%arg13 : memref<!tpu.dma_semaphore, #tpu.memory_space<semaphore_mem>>)
      %slice3A_89 = vector.extract_strided_slice %shift_right_logical3A_53 {offsets = [2], sizes = [1], strides = [1]} : vector<16xi32> to vector<1xi32>
      %squeeze3A_90 = vector.extract %slice3A_89[0] : i32 from vector<1xi32>
      %slice3A_91 = vector.extract_strided_slice %and3A_55 {offsets = [2], sizes = [1], strides = [1]} : vector<16xi32> to vector<1xi32>
      %squeeze3A_92 = vector.extract %slice3A_91[0] : i32 from vector<1xi32>
      %mul3A_93 = arith.constant 16 : i32
      %mul3A_94 = arith.muli %scan3A_46, %mul3A_93 : i32
      %add3A_95 = arith.constant 2 : i32
      %add3A_96 = arith.addi %mul3A_94, %add3A_95 : i32
      %dma_start3A_97 = arith.constant 0 : i32
      %dma_start3A_98 = arith.constant 0 : i32
      %dma_start3A_99 = tpu.memref_slice %arg12[%add3A_96, %dma_start3A_97, %dma_start3A_98] : memref<512x1x64xf32, #tpu.memory_space<vmem>> -> memref<1x1x64xf32, #tpu.memory_space<vmem>>
      %dma_start3A_100 = arith.constant 0 : i32
      %dma_start3A_101 = tpu.memref_slice %arg5[%squeeze3A_90, %squeeze3A_92, %dma_start3A_100] : memref<125000x8x64xf32, #tpu.memory_space<hbm>> -> memref<1x1x64xf32, #tpu.memory_space<hbm>>
      %dma_start3A_102 = arith.constant 0 : i32
      %dma_start3A_103 = arith.constant 0 : i32
      %dma_start3A_104 = tpu.memref_slice %arg12[%add3A_96, %dma_start3A_102, %dma_start3A_103] : memref<512x1x64xf32, #tpu.memory_space<vmem>> -> memref<1x1x64xf32, #tpu.memory_space<vmem>>
      %dma_start3A_105 = arith.constant 0 : i32
      %dma_start3A_106 = tpu.memref_slice %arg5[%squeeze3A_90, %squeeze3A_92, %dma_start3A_105] : memref<125000x8x64xf32, #tpu.memory_space<hbm>> -> memref<1x1x64xf32, #tpu.memory_space<hbm>>
      tpu.enqueue_dma source(%dma_start3A_106 : memref<1x1x64xf32, #tpu.memory_space<hbm>>) target(%dma_start3A_104 : memref<1x1x64xf32, #tpu.memory_space<vmem>>) target_semaphore(%arg13 : memref<!tpu.dma_semaphore, #tpu.memory_space<semaphore_mem>>)
      %slice3A_107 = vector.extract_strided_slice %shift_right_logical3A_53 {offsets = [3], sizes = [1], strides = [1]} : vector<16xi32> to vector<1xi32>
      %squeeze3A_108 = vector.extract %slice3A_107[0] : i32 from vector<1xi32>
      %slice3A_109 = vector.extract_strided_slice %and3A_55 {offsets = [3], sizes = [1], strides = [1]} : vector<16xi32> to vector<1xi32>
      %squeeze3A_110 = vector.extract %slice3A_109[0] : i32 from vector<1xi32>
      %mul3A_111 = arith.constant 16 : i32
      %mul3A_112 = arith.muli %scan3A_46, %mul3A_111 : i32
      %add3A_113 = arith.constant 3 : i32
      %add3A_114 = arith.addi %mul3A_112, %add3A_113 : i32
      %dma_start3A_115 = arith.constant 0 : i32
      %dma_start3A_116 = arith.constant 0 : i32
      %dma_start3A_117 = tpu.memref_slice %arg12[%add3A_114, %dma_start3A_115, %dma_start3A_116] : memref<512x1x64xf32, #tpu.memory_space<vmem>> -> memref<1x1x64xf32, #tpu.memory_space<vmem>>
      %dma_start3A_118 = arith.constant 0 : i32
      %dma_start3A_119 = tpu.memref_slice %arg5[%squeeze3A_108, %squeeze3A_110, %dma_start3A_118] : memref<125000x8x64xf32, #tpu.memory_space<hbm>> -> memref<1x1x64xf32, #tpu.memory_space<hbm>>
      %dma_start3A_120 = arith.constant 0 : i32
      %dma_start3A_121 = arith.constant 0 : i32
      %dma_start3A_122 = tpu.memref_slice %arg12[%add3A_114, %dma_start3A_120, %dma_start3A_121] : memref<512x1x64xf32, #tpu.memory_space<vmem>> -> memref<1x1x64xf32, #tpu.memory_space<vmem>>
      %dma_start3A_123 = arith.constant 0 : i32
      %dma_start3A_124 = tpu.memref_slice %arg5[%squeeze3A_108, %squeeze3A_110, %dma_start3A_123] : memref<125000x8x64xf32, #tpu.memory_space<hbm>> -> memref<1x1x64xf32, #tpu.memory_space<hbm>>
      tpu.enqueue_dma source(%dma_start3A_124 : memref<1x1x64xf32, #tpu.memory_space<hbm>>) target(%dma_start3A_122 : memref<1x1x64xf32, #tpu.memory_space<vmem>>) target_semaphore(%arg13 : memref<!tpu.dma_semaphore, #tpu.memory_space<semaphore_mem>>)
      %slice3A_125 = vector.extract_strided_slice %shift_right_logical3A_53 {offsets = [4], sizes = [1], strides = [1]} : vector<16xi32> to vector<1xi32>
      %squeeze3A_126 = vector.extract %slice3A_125[0] : i32 from vector<1xi32>
      %slice3A_127 = vector.extract_strided_slice %and3A_55 {offsets = [4], sizes = [1], strides = [1]} : vector<16xi32> to vector<1xi32>
      %squeeze3A_128 = vector.extract %slice3A_127[0] : i32 from vector<1xi32>
      %mul3A_129 = arith.constant 16 : i32
      %mul3A_130 = arith.muli %scan3A_46, %mul3A_129 : i32
      %add3A_131 = arith.constant 4 : i32
      %add3A_132 = arith.addi %mul3A_130, %add3A_131 : i32
      %dma_start3A_133 = arith.constant 0 : i32
      %dma_start3A_134 = arith.constant 0 : i32
      %dma_start3A_135 = tpu.memref_slice %arg12[%add3A_132, %dma_start3A_133, %dma_start3A_134] : memref<512x1x64xf32, #tpu.memory_space<vmem>> -> memref<1x1x64xf32, #tpu.memory_space<vmem>>
      %dma_start3A_136 = arith.constant 0 : i32
      %dma_start3A_137 = tpu.memref_slice %arg5[%squeeze3A_126, %squeeze3A_128, %dma_start3A_136] : memref<125000x8x64xf32, #tpu.memory_space<hbm>> -> memref<1x1x64xf32, #tpu.memory_space<hbm>>
      %dma_start3A_138 = arith.constant 0 : i32
      %dma_start3A_139 = arith.constant 0 : i32
      %dma_start3A_140 = tpu.memref_slice %arg12[%add3A_132, %dma_start3A_138, %dma_start3A_139] : memref<512x1x64xf32, #tpu.memory_space<vmem>> -> memref<1x1x64xf32, #tpu.memory_space<vmem>>
      %dma_start3A_141 = arith.constant 0 : i32
      %dma_start3A_142 = tpu.memref_slice %arg5[%squeeze3A_126, %squeeze3A_128, %dma_start3A_141] : memref<125000x8x64xf32, #tpu.memory_space<hbm>> -> memref<1x1x64xf32, #tpu.memory_space<hbm>>
      tpu.enqueue_dma source(%dma_start3A_142 : memref<1x1x64xf32, #tpu.memory_space<hbm>>) target(%dma_start3A_140 : memref<1x1x64xf32, #tpu.memory_space<vmem>>) target_semaphore(%arg13 : memref<!tpu.dma_semaphore, #tpu.memory_space<semaphore_mem>>)
      %slice3A_143 = vector.extract_strided_slice %shift_right_logical3A_53 {offsets = [5], sizes = [1], strides = [1]} : vector<16xi32> to vector<1xi32>
      %squeeze3A_144 = vector.extract %slice3A_143[0] : i32 from vector<1xi32>
      %slice3A_145 = vector.extract_strided_slice %and3A_55 {offsets = [5], sizes = [1], strides = [1]} : vector<16xi32> to vector<1xi32>
      %squeeze3A_146 = vector.extract %slice3A_145[0] : i32 from vector<1xi32>
      %mul3A_147 = arith.constant 16 : i32
      %mul3A_148 = arith.muli %scan3A_46, %mul3A_147 : i32
      %add3A_149 = arith.constant 5 : i32
      %add3A_150 = arith.addi %mul3A_148, %add3A_149 : i32
      %dma_start3A_151 = arith.constant 0 : i32
      %dma_start3A_152 = arith.constant 0 : i32
      %dma_start3A_153 = tpu.memref_slice %arg12[%add3A_150, %dma_start3A_151, %dma_start3A_152] : memref<512x1x64xf32, #tpu.memory_space<vmem>> -> memref<1x1x64xf32, #tpu.memory_space<vmem>>
      %dma_start3A_154 = arith.constant 0 : i32
      %dma_start3A_155 = tpu.memref_slice %arg5[%squeeze3A_144, %squeeze3A_146, %dma_start3A_154] : memref<125000x8x64xf32, #tpu.memory_space<hbm>> -> memref<1x1x64xf32, #tpu.memory_space<hbm>>
      %dma_start3A_156 = arith.constant 0 : i32
      %dma_start3A_157 = arith.constant 0 : i32
      %dma_start3A_158 = tpu.memref_slice %arg12[%add3A_150, %dma_start3A_156, %dma_start3A_157] : memref<512x1x64xf32, #tpu.memory_space<vmem>> -> memref<1x1x64xf32, #tpu.memory_space<vmem>>
      %dma_start3A_159 = arith.constant 0 : i32
      %dma_start3A_160 = tpu.memref_slice %arg5[%squeeze3A_144, %squeeze3A_146, %dma_start3A_159] : memref<125000x8x64xf32, #tpu.memory_space<hbm>> -> memref<1x1x64xf32, #tpu.memory_space<hbm>>
      tpu.enqueue_dma source(%dma_start3A_160 : memref<1x1x64xf32, #tpu.memory_space<hbm>>) target(%dma_start3A_158 : memref<1x1x64xf32, #tpu.memory_space<vmem>>) target_semaphore(%arg13 : memref<!tpu.dma_semaphore, #tpu.memory_space<semaphore_mem>>)
      %slice3A_161 = vector.extract_strided_slice %shift_right_logical3A_53 {offsets = [6], sizes = [1], strides = [1]} : vector<16xi32> to vector<1xi32>
      %squeeze3A_162 = vector.extract %slice3A_161[0] : i32 from vector<1xi32>
      %slice3A_163 = vector.extract_strided_slice %and3A_55 {offsets = [6], sizes = [1], strides = [1]} : vector<16xi32> to vector<1xi32>
      %squeeze3A_164 = vector.extract %slice3A_163[0] : i32 from vector<1xi32>
      %mul3A_165 = arith.constant 16 : i32
      %mul3A_166 = arith.muli %scan3A_46, %mul3A_165 : i32
      %add3A_167 = arith.constant 6 : i32
      %add3A_168 = arith.addi %mul3A_166, %add3A_167 : i32
      %dma_start3A_169 = arith.constant 0 : i32
      %dma_start3A_170 = arith.constant 0 : i32
      %dma_start3A_171 = tpu.memref_slice %arg12[%add3A_168, %dma_start3A_169, %dma_start3A_170] : memref<512x1x64xf32, #tpu.memory_space<vmem>> -> memref<1x1x64xf32, #tpu.memory_space<vmem>>
      %dma_start3A_172 = arith.constant 0 : i32
      %dma_start3A_173 = tpu.memref_slice %arg5[%squeeze3A_162, %squeeze3A_164, %dma_start3A_172] : memref<125000x8x64xf32, #tpu.memory_space<hbm>> -> memref<1x1x64xf32, #tpu.memory_space<hbm>>
      %dma_start3A_174 = arith.constant 0 : i32
      %dma_start3A_175 = arith.constant 0 : i32
      %dma_start3A_176 = tpu.memref_slice %arg12[%add3A_168, %dma_start3A_174, %dma_start3A_175] : memref<512x1x64xf32, #tpu.memory_space<vmem>> -> memref<1x1x64xf32, #tpu.memory_space<vmem>>
      %dma_start3A_177 = arith.constant 0 : i32
      %dma_start3A_178 = tpu.memref_slice %arg5[%squeeze3A_162, %squeeze3A_164, %dma_start3A_177] : memref<125000x8x64xf32, #tpu.memory_space<hbm>> -> memref<1x1x64xf32, #tpu.memory_space<hbm>>
      tpu.enqueue_dma source(%dma_start3A_178 : memref<1x1x64xf32, #tpu.memory_space<hbm>>) target(%dma_start3A_176 : memref<1x1x64xf32, #tpu.memory_space<vmem>>) target_semaphore(%arg13 : memref<!tpu.dma_semaphore, #tpu.memory_space<semaphore_mem>>)
      %slice3A_179 = vector.extract_strided_slice %shift_right_logical3A_53 {offsets = [7], sizes = [1], strides = [1]} : vector<16xi32> to vector<1xi32>
      %squeeze3A_180 = vector.extract %slice3A_179[0] : i32 from vector<1xi32>
      %slice3A_181 = vector.extract_strided_slice %and3A_55 {offsets = [7], sizes = [1], strides = [1]} : vector<16xi32> to vector<1xi32>
      %squeeze3A_182 = vector.extract %slice3A_181[0] : i32 from vector<1xi32>
      %mul3A_183 = arith.constant 16 : i32
      %mul3A_184 = arith.muli %scan3A_46, %mul3A_183 : i32
      %add3A_185 = arith.constant 7 : i32
      %add3A_186 = arith.addi %mul3A_184, %add3A_185 : i32
      %dma_start3A_187 = arith.constant 0 : i32
      %dma_start3A_188 = arith.constant 0 : i32
      %dma_start3A_189 = tpu.memref_slice %arg12[%add3A_186, %dma_start3A_187, %dma_start3A_188] : memref<512x1x64xf32, #tpu.memory_space<vmem>> -> memref<1x1x64xf32, #tpu.memory_space<vmem>>
      %dma_start3A_190 = arith.constant 0 : i32
      %dma_start3A_191 = tpu.memref_slice %arg5[%squeeze3A_180, %squeeze3A_182, %dma_start3A_190] : memref<125000x8x64xf32, #tpu.memory_space<hbm>> -> memref<1x1x64xf32, #tpu.memory_space<hbm>>
      %dma_start3A_192 = arith.constant 0 : i32
      %dma_start3A_193 = arith.constant 0 : i32
      %dma_start3A_194 = tpu.memref_slice %arg12[%add3A_186, %dma_start3A_192, %dma_start3A_193] : memref<512x1x64xf32, #tpu.memory_space<vmem>> -> memref<1x1x64xf32, #tpu.memory_space<vmem>>
      %dma_start3A_195 = arith.constant 0 : i32
      %dma_start3A_196 = tpu.memref_slice %arg5[%squeeze3A_180, %squeeze3A_182, %dma_start3A_195] : memref<125000x8x64xf32, #tpu.memory_space<hbm>> -> memref<1x1x64xf32, #tpu.memory_space<hbm>>
      tpu.enqueue_dma source(%dma_start3A_196 : memref<1x1x64xf32, #tpu.memory_space<hbm>>) target(%dma_start3A_194 : memref<1x1x64xf32, #tpu.memory_space<vmem>>) target_semaphore(%arg13 : memref<!tpu.dma_semaphore, #tpu.memory_space<semaphore_mem>>)
      %slice3A_197 = vector.extract_strided_slice %shift_right_logical3A_53 {offsets = [8], sizes = [1], strides = [1]} : vector<16xi32> to vector<1xi32>
      %squeeze3A_198 = vector.extract %slice3A_197[0] : i32 from vector<1xi32>
      %slice3A_199 = vector.extract_strided_slice %and3A_55 {offsets = [8], sizes = [1], strides = [1]} : vector<16xi32> to vector<1xi32>
      %squeeze3A_200 = vector.extract %slice3A_199[0] : i32 from vector<1xi32>
      %mul3A_201 = arith.constant 16 : i32
      %mul3A_202 = arith.muli %scan3A_46, %mul3A_201 : i32
      %add3A_203 = arith.constant 8 : i32
      %add3A_204 = arith.addi %mul3A_202, %add3A_203 : i32
      %dma_start3A_205 = arith.constant 0 : i32
      %dma_start3A_206 = arith.constant 0 : i32
      %dma_start3A_207 = tpu.memref_slice %arg12[%add3A_204, %dma_start3A_205, %dma_start3A_206] : memref<512x1x64xf32, #tpu.memory_space<vmem>> -> memref<1x1x64xf32, #tpu.memory_space<vmem>>
      %dma_start3A_208 = arith.constant 0 : i32
      %dma_start3A_209 = tpu.memref_slice %arg5[%squeeze3A_198, %squeeze3A_200, %dma_start3A_208] : memref<125000x8x64xf32, #tpu.memory_space<hbm>> -> memref<1x1x64xf32, #tpu.memory_space<hbm>>
      %dma_start3A_210 = arith.constant 0 : i32
      %dma_start3A_211 = arith.constant 0 : i32
      %dma_start3A_212 = tpu.memref_slice %arg12[%add3A_204, %dma_start3A_210, %dma_start3A_211] : memref<512x1x64xf32, #tpu.memory_space<vmem>> -> memref<1x1x64xf32, #tpu.memory_space<vmem>>
      %dma_start3A_213 = arith.constant 0 : i32
      %dma_start3A_214 = tpu.memref_slice %arg5[%squeeze3A_198, %squeeze3A_200, %dma_start3A_213] : memref<125000x8x64xf32, #tpu.memory_space<hbm>> -> memref<1x1x64xf32, #tpu.memory_space<hbm>>
      tpu.enqueue_dma source(%dma_start3A_214 : memref<1x1x64xf32, #tpu.memory_space<hbm>>) target(%dma_start3A_212 : memref<1x1x64xf32, #tpu.memory_space<vmem>>) target_semaphore(%arg13 : memref<!tpu.dma_semaphore, #tpu.memory_space<semaphore_mem>>)
      %slice3A_215 = vector.extract_strided_slice %shift_right_logical3A_53 {offsets = [9], sizes = [1], strides = [1]} : vector<16xi32> to vector<1xi32>
      %squeeze3A_216 = vector.extract %slice3A_215[0] : i32 from vector<1xi32>
      %slice3A_217 = vector.extract_strided_slice %and3A_55 {offsets = [9], sizes = [1], strides = [1]} : vector<16xi32> to vector<1xi32>
      %squeeze3A_218 = vector.extract %slice3A_217[0] : i32 from vector<1xi32>
      %mul3A_219 = arith.constant 16 : i32
      %mul3A_220 = arith.muli %scan3A_46, %mul3A_219 : i32
      %add3A_221 = arith.constant 9 : i32
      %add3A_222 = arith.addi %mul3A_220, %add3A_221 : i32
      %dma_start3A_223 = arith.constant 0 : i32
      %dma_start3A_224 = arith.constant 0 : i32
      %dma_start3A_225 = tpu.memref_slice %arg12[%add3A_222, %dma_start3A_223, %dma_start3A_224] : memref<512x1x64xf32, #tpu.memory_space<vmem>> -> memref<1x1x64xf32, #tpu.memory_space<vmem>>
      %dma_start3A_226 = arith.constant 0 : i32
      %dma_start3A_227 = tpu.memref_slice %arg5[%squeeze3A_216, %squeeze3A_218, %dma_start3A_226] : memref<125000x8x64xf32, #tpu.memory_space<hbm>> -> memref<1x1x64xf32, #tpu.memory_space<hbm>>
      %dma_start3A_228 = arith.constant 0 : i32
      %dma_start3A_229 = arith.constant 0 : i32
      %dma_start3A_230 = tpu.memref_slice %arg12[%add3A_222, %dma_start3A_228, %dma_start3A_229] : memref<512x1x64xf32, #tpu.memory_space<vmem>> -> memref<1x1x64xf32, #tpu.memory_space<vmem>>
      %dma_start3A_231 = arith.constant 0 : i32
      %dma_start3A_232 = tpu.memref_slice %arg5[%squeeze3A_216, %squeeze3A_218, %dma_start3A_231] : memref<125000x8x64xf32, #tpu.memory_space<hbm>> -> memref<1x1x64xf32, #tpu.memory_space<hbm>>
      tpu.enqueue_dma source(%dma_start3A_232 : memref<1x1x64xf32, #tpu.memory_space<hbm>>) target(%dma_start3A_230 : memref<1x1x64xf32, #tpu.memory_space<vmem>>) target_semaphore(%arg13 : memref<!tpu.dma_semaphore, #tpu.memory_space<semaphore_mem>>)
      %slice3A_233 = vector.extract_strided_slice %shift_right_logical3A_53 {offsets = [10], sizes = [1], strides = [1]} : vector<16xi32> to vector<1xi32>
      %squeeze3A_234 = vector.extract %slice3A_233[0] : i32 from vector<1xi32>
      %slice3A_235 = vector.extract_strided_slice %and3A_55 {offsets = [10], sizes = [1], strides = [1]} : vector<16xi32> to vector<1xi32>
      %squeeze3A_236 = vector.extract %slice3A_235[0] : i32 from vector<1xi32>
      %mul3A_237 = arith.constant 16 : i32
      %mul3A_238 = arith.muli %scan3A_46, %mul3A_237 : i32
      %add3A_239 = arith.constant 10 : i32
      %add3A_240 = arith.addi %mul3A_238, %add3A_239 : i32
      %dma_start3A_241 = arith.constant 0 : i32
      %dma_start3A_242 = arith.constant 0 : i32
      %dma_start3A_243 = tpu.memref_slice %arg12[%add3A_240, %dma_start3A_241, %dma_start3A_242] : memref<512x1x64xf32, #tpu.memory_space<vmem>> -> memref<1x1x64xf32, #tpu.memory_space<vmem>>
      %dma_start3A_244 = arith.constant 0 : i32
      %dma_start3A_245 = tpu.memref_slice %arg5[%squeeze3A_234, %squeeze3A_236, %dma_start3A_244] : memref<125000x8x64xf32, #tpu.memory_space<hbm>> -> memref<1x1x64xf32, #tpu.memory_space<hbm>>
      %dma_start3A_246 = arith.constant 0 : i32
      %dma_start3A_247 = arith.constant 0 : i32
      %dma_start3A_248 = tpu.memref_slice %arg12[%add3A_240, %dma_start3A_246, %dma_start3A_247] : memref<512x1x64xf32, #tpu.memory_space<vmem>> -> memref<1x1x64xf32, #tpu.memory_space<vmem>>
      %dma_start3A_249 = arith.constant 0 : i32
      %dma_start3A_250 = tpu.memref_slice %arg5[%squeeze3A_234, %squeeze3A_236, %dma_start3A_249] : memref<125000x8x64xf32, #tpu.memory_space<hbm>> -> memref<1x1x64xf32, #tpu.memory_space<hbm>>
      tpu.enqueue_dma source(%dma_start3A_250 : memref<1x1x64xf32, #tpu.memory_space<hbm>>) target(%dma_start3A_248 : memref<1x1x64xf32, #tpu.memory_space<vmem>>) target_semaphore(%arg13 : memref<!tpu.dma_semaphore, #tpu.memory_space<semaphore_mem>>)
      %slice3A_251 = vector.extract_strided_slice %shift_right_logical3A_53 {offsets = [11], sizes = [1], strides = [1]} : vector<16xi32> to vector<1xi32>
      %squeeze3A_252 = vector.extract %slice3A_251[0] : i32 from vector<1xi32>
      %slice3A_253 = vector.extract_strided_slice %and3A_55 {offsets = [11], sizes = [1], strides = [1]} : vector<16xi32> to vector<1xi32>
      %squeeze3A_254 = vector.extract %slice3A_253[0] : i32 from vector<1xi32>
      %mul3A_255 = arith.constant 16 : i32
      %mul3A_256 = arith.muli %scan3A_46, %mul3A_255 : i32
      %add3A_257 = arith.constant 11 : i32
      %add3A_258 = arith.addi %mul3A_256, %add3A_257 : i32
      %dma_start3A_259 = arith.constant 0 : i32
      %dma_start3A_260 = arith.constant 0 : i32
      %dma_start3A_261 = tpu.memref_slice %arg12[%add3A_258, %dma_start3A_259, %dma_start3A_260] : memref<512x1x64xf32, #tpu.memory_space<vmem>> -> memref<1x1x64xf32, #tpu.memory_space<vmem>>
      %dma_start3A_262 = arith.constant 0 : i32
      %dma_start3A_263 = tpu.memref_slice %arg5[%squeeze3A_252, %squeeze3A_254, %dma_start3A_262] : memref<125000x8x64xf32, #tpu.memory_space<hbm>> -> memref<1x1x64xf32, #tpu.memory_space<hbm>>
      %dma_start3A_264 = arith.constant 0 : i32
      %dma_start3A_265 = arith.constant 0 : i32
      %dma_start3A_266 = tpu.memref_slice %arg12[%add3A_258, %dma_start3A_264, %dma_start3A_265] : memref<512x1x64xf32, #tpu.memory_space<vmem>> -> memref<1x1x64xf32, #tpu.memory_space<vmem>>
      %dma_start3A_267 = arith.constant 0 : i32
      %dma_start3A_268 = tpu.memref_slice %arg5[%squeeze3A_252, %squeeze3A_254, %dma_start3A_267] : memref<125000x8x64xf32, #tpu.memory_space<hbm>> -> memref<1x1x64xf32, #tpu.memory_space<hbm>>
      tpu.enqueue_dma source(%dma_start3A_268 : memref<1x1x64xf32, #tpu.memory_space<hbm>>) target(%dma_start3A_266 : memref<1x1x64xf32, #tpu.memory_space<vmem>>) target_semaphore(%arg13 : memref<!tpu.dma_semaphore, #tpu.memory_space<semaphore_mem>>)
      %slice3A_269 = vector.extract_strided_slice %shift_right_logical3A_53 {offsets = [12], sizes = [1], strides = [1]} : vector<16xi32> to vector<1xi32>
      %squeeze3A_270 = vector.extract %slice3A_269[0] : i32 from vector<1xi32>
      %slice3A_271 = vector.extract_strided_slice %and3A_55 {offsets = [12], sizes = [1], strides = [1]} : vector<16xi32> to vector<1xi32>
      %squeeze3A_272 = vector.extract %slice3A_271[0] : i32 from vector<1xi32>
      %mul3A_273 = arith.constant 16 : i32
      %mul3A_274 = arith.muli %scan3A_46, %mul3A_273 : i32
      %add3A_275 = arith.constant 12 : i32
      %add3A_276 = arith.addi %mul3A_274, %add3A_275 : i32
      %dma_start3A_277 = arith.constant 0 : i32
      %dma_start3A_278 = arith.constant 0 : i32
      %dma_start3A_279 = tpu.memref_slice %arg12[%add3A_276, %dma_start3A_277, %dma_start3A_278] : memref<512x1x64xf32, #tpu.memory_space<vmem>> -> memref<1x1x64xf32, #tpu.memory_space<vmem>>
      %dma_start3A_280 = arith.constant 0 : i32
      %dma_start3A_281 = tpu.memref_slice %arg5[%squeeze3A_270, %squeeze3A_272, %dma_start3A_280] : memref<125000x8x64xf32, #tpu.memory_space<hbm>> -> memref<1x1x64xf32, #tpu.memory_space<hbm>>
      %dma_start3A_282 = arith.constant 0 : i32
      %dma_start3A_283 = arith.constant 0 : i32
      %dma_start3A_284 = tpu.memref_slice %arg12[%add3A_276, %dma_start3A_282, %dma_start3A_283] : memref<512x1x64xf32, #tpu.memory_space<vmem>> -> memref<1x1x64xf32, #tpu.memory_space<vmem>>
      %dma_start3A_285 = arith.constant 0 : i32
      %dma_start3A_286 = tpu.memref_slice %arg5[%squeeze3A_270, %squeeze3A_272, %dma_start3A_285] : memref<125000x8x64xf32, #tpu.memory_space<hbm>> -> memref<1x1x64xf32, #tpu.memory_space<hbm>>
      tpu.enqueue_dma source(%dma_start3A_286 : memref<1x1x64xf32, #tpu.memory_space<hbm>>) target(%dma_start3A_284 : memref<1x1x64xf32, #tpu.memory_space<vmem>>) target_semaphore(%arg13 : memref<!tpu.dma_semaphore, #tpu.memory_space<semaphore_mem>>)
      %slice3A_287 = vector.extract_strided_slice %shift_right_logical3A_53 {offsets = [13], sizes = [1], strides = [1]} : vector<16xi32> to vector<1xi32>
      %squeeze3A_288 = vector.extract %slice3A_287[0] : i32 from vector<1xi32>
      %slice3A_289 = vector.extract_strided_slice %and3A_55 {offsets = [13], sizes = [1], strides = [1]} : vector<16xi32> to vector<1xi32>
      %squeeze3A_290 = vector.extract %slice3A_289[0] : i32 from vector<1xi32>
      %mul3A_291 = arith.constant 16 : i32
      %mul3A_292 = arith.muli %scan3A_46, %mul3A_291 : i32
      %add3A_293 = arith.constant 13 : i32
      %add3A_294 = arith.addi %mul3A_292, %add3A_293 : i32
      %dma_start3A_295 = arith.constant 0 : i32
      %dma_start3A_296 = arith.constant 0 : i32
      %dma_start3A_297 = tpu.memref_slice %arg12[%add3A_294, %dma_start3A_295, %dma_start3A_296] : memref<512x1x64xf32, #tpu.memory_space<vmem>> -> memref<1x1x64xf32, #tpu.memory_space<vmem>>
      %dma_start3A_298 = arith.constant 0 : i32
      %dma_start3A_299 = tpu.memref_slice %arg5[%squeeze3A_288, %squeeze3A_290, %dma_start3A_298] : memref<125000x8x64xf32, #tpu.memory_space<hbm>> -> memref<1x1x64xf32, #tpu.memory_space<hbm>>
      %dma_start3A_300 = arith.constant 0 : i32
      %dma_start3A_301 = arith.constant 0 : i32
      %dma_start3A_302 = tpu.memref_slice %arg12[%add3A_294, %dma_start3A_300, %dma_start3A_301] : memref<512x1x64xf32, #tpu.memory_space<vmem>> -> memref<1x1x64xf32, #tpu.memory_space<vmem>>
      %dma_start3A_303 = arith.constant 0 : i32
      %dma_start3A_304 = tpu.memref_slice %arg5[%squeeze3A_288, %squeeze3A_290, %dma_start3A_303] : memref<125000x8x64xf32, #tpu.memory_space<hbm>> -> memref<1x1x64xf32, #tpu.memory_space<hbm>>
      tpu.enqueue_dma source(%dma_start3A_304 : memref<1x1x64xf32, #tpu.memory_space<hbm>>) target(%dma_start3A_302 : memref<1x1x64xf32, #tpu.memory_space<vmem>>) target_semaphore(%arg13 : memref<!tpu.dma_semaphore, #tpu.memory_space<semaphore_mem>>)
      %slice3A_305 = vector.extract_strided_slice %shift_right_logical3A_53 {offsets = [14], sizes = [1], strides = [1]} : vector<16xi32> to vector<1xi32>
      %squeeze3A_306 = vector.extract %slice3A_305[0] : i32 from vector<1xi32>
      %slice3A_307 = vector.extract_strided_slice %and3A_55 {offsets = [14], sizes = [1], strides = [1]} : vector<16xi32> to vector<1xi32>
      %squeeze3A_308 = vector.extract %slice3A_307[0] : i32 from vector<1xi32>
      %mul3A_309 = arith.constant 16 : i32
      %mul3A_310 = arith.muli %scan3A_46, %mul3A_309 : i32
      %add3A_311 = arith.constant 14 : i32
      %add3A_312 = arith.addi %mul3A_310, %add3A_311 : i32
      %dma_start3A_313 = arith.constant 0 : i32
      %dma_start3A_314 = arith.constant 0 : i32
      %dma_start3A_315 = tpu.memref_slice %arg12[%add3A_312, %dma_start3A_313, %dma_start3A_314] : memref<512x1x64xf32, #tpu.memory_space<vmem>> -> memref<1x1x64xf32, #tpu.memory_space<vmem>>
      %dma_start3A_316 = arith.constant 0 : i32
      %dma_start3A_317 = tpu.memref_slice %arg5[%squeeze3A_306, %squeeze3A_308, %dma_start3A_316] : memref<125000x8x64xf32, #tpu.memory_space<hbm>> -> memref<1x1x64xf32, #tpu.memory_space<hbm>>
      %dma_start3A_318 = arith.constant 0 : i32
      %dma_start3A_319 = arith.constant 0 : i32
      %dma_start3A_320 = tpu.memref_slice %arg12[%add3A_312, %dma_start3A_318, %dma_start3A_319] : memref<512x1x64xf32, #tpu.memory_space<vmem>> -> memref<1x1x64xf32, #tpu.memory_space<vmem>>
      %dma_start3A_321 = arith.constant 0 : i32
      %dma_start3A_322 = tpu.memref_slice %arg5[%squeeze3A_306, %squeeze3A_308, %dma_start3A_321] : memref<125000x8x64xf32, #tpu.memory_space<hbm>> -> memref<1x1x64xf32, #tpu.memory_space<hbm>>
      tpu.enqueue_dma source(%dma_start3A_322 : memref<1x1x64xf32, #tpu.memory_space<hbm>>) target(%dma_start3A_320 : memref<1x1x64xf32, #tpu.memory_space<vmem>>) target_semaphore(%arg13 : memref<!tpu.dma_semaphore, #tpu.memory_space<semaphore_mem>>)
      %slice3A_323 = vector.extract_strided_slice %shift_right_logical3A_53 {offsets = [15], sizes = [1], strides = [1]} : vector<16xi32> to vector<1xi32>
      %squeeze3A_324 = vector.extract %slice3A_323[0] : i32 from vector<1xi32>
      %slice3A_325 = vector.extract_strided_slice %and3A_55 {offsets = [15], sizes = [1], strides = [1]} : vector<16xi32> to vector<1xi32>
      %squeeze3A_326 = vector.extract %slice3A_325[0] : i32 from vector<1xi32>
      %mul3A_327 = arith.constant 16 : i32
      %mul3A_328 = arith.muli %scan3A_46, %mul3A_327 : i32
      %add3A_329 = arith.constant 15 : i32
      %add3A_330 = arith.addi %mul3A_328, %add3A_329 : i32
      %dma_start3A_331 = arith.constant 0 : i32
      %dma_start3A_332 = arith.constant 0 : i32
      %dma_start3A_333 = tpu.memref_slice %arg12[%add3A_330, %dma_start3A_331, %dma_start3A_332] : memref<512x1x64xf32, #tpu.memory_space<vmem>> -> memref<1x1x64xf32, #tpu.memory_space<vmem>>
      %dma_start3A_334 = arith.constant 0 : i32
      %dma_start3A_335 = tpu.memref_slice %arg5[%squeeze3A_324, %squeeze3A_326, %dma_start3A_334] : memref<125000x8x64xf32, #tpu.memory_space<hbm>> -> memref<1x1x64xf32, #tpu.memory_space<hbm>>
      %dma_start3A_336 = arith.constant 0 : i32
      %dma_start3A_337 = arith.constant 0 : i32
      %dma_start3A_338 = tpu.memref_slice %arg12[%add3A_330, %dma_start3A_336, %dma_start3A_337] : memref<512x1x64xf32, #tpu.memory_space<vmem>> -> memref<1x1x64xf32, #tpu.memory_space<vmem>>
      %dma_start3A_339 = arith.constant 0 : i32
      %dma_start3A_340 = tpu.memref_slice %arg5[%squeeze3A_324, %squeeze3A_326, %dma_start3A_339] : memref<125000x8x64xf32, #tpu.memory_space<hbm>> -> memref<1x1x64xf32, #tpu.memory_space<hbm>>
      tpu.enqueue_dma source(%dma_start3A_340 : memref<1x1x64xf32, #tpu.memory_space<hbm>>) target(%dma_start3A_338 : memref<1x1x64xf32, #tpu.memory_space<vmem>>) target_semaphore(%arg13 : memref<!tpu.dma_semaphore, #tpu.memory_space<semaphore_mem>>)
      %scan3A_341 = arith.constant 0 : i32
      scf.yield %scan3A_341 : i32
    }
    %scan3A_8 = arith.constant 32 : i32
    %dma_wait3A = arith.constant 0 : i32
    %dma_wait3A_9 = arith.constant 0 : i32
    %dma_wait3A_10 = arith.constant 0 : i32
    %dma_wait3A_11 = tpu.memref_slice %arg5[%dma_wait3A, %dma_wait3A_9, %dma_wait3A_10] : memref<125000x8x64xf32, #tpu.memory_space<hbm>> -> memref<512x1x64xf32, #tpu.memory_space<hbm>>
    %dma_wait3A_12 = arith.constant 0 : i32
    %dma_wait3A_13 = arith.constant 0 : i32
    %dma_wait3A_14 = arith.constant 0 : i32
    %dma_wait3A_15 = tpu.memref_slice %arg5[%dma_wait3A_12, %dma_wait3A_13, %dma_wait3A_14] : memref<125000x8x64xf32, #tpu.memory_space<hbm>> -> memref<512x1x64xf32, #tpu.memory_space<hbm>>
    tpu.wait_dma2 semaphore(%arg13 : memref<!tpu.dma_semaphore, #tpu.memory_space<semaphore_mem>>) src(%dma_wait3A_15 : memref<512x1x64xf32, #tpu.memory_space<hbm>>) dst(%arg12 : memref<512x1x64xf32, #tpu.memory_space<vmem>>)
    "tpu.region"() ({
      %run_scoped3A = tpu.sem_alloc : memref<!tpu.dma_semaphore, #tpu.memory_space<semaphore_mem>>
      %dma_start3A = arith.constant 0 : i32
      %dma_start3A_46 = arith.constant 0 : i32
      %dma_start3A_47 = tpu.memref_slice %arg8[%mul3A_2, %dma_start3A, %dma_start3A_46] : memref<16384x1x64xf32, #tpu.memory_space<hbm>> -> memref<512x1x64xf32, #tpu.memory_space<hbm>>
      %dma_start3A_48 = arith.constant 0 : i32
      %dma_start3A_49 = arith.constant 0 : i32
      %dma_start3A_50 = tpu.memref_slice %arg8[%mul3A_2, %dma_start3A_48, %dma_start3A_49] : memref<16384x1x64xf32, #tpu.memory_space<hbm>> -> memref<512x1x64xf32, #tpu.memory_space<hbm>>
      tpu.enqueue_dma source(%arg12 : memref<512x1x64xf32, #tpu.memory_space<vmem>>) target(%dma_start3A_50 : memref<512x1x64xf32, #tpu.memory_space<hbm>>) target_semaphore(%run_scoped3A : memref<!tpu.dma_semaphore, #tpu.memory_space<semaphore_mem>>)
      %dma_wait3A_51 = arith.constant 0 : i32
      %dma_wait3A_52 = arith.constant 0 : i32
      %dma_wait3A_53 = tpu.memref_slice %arg8[%mul3A_2, %dma_wait3A_51, %dma_wait3A_52] : memref<16384x1x64xf32, #tpu.memory_space<hbm>> -> memref<512x1x64xf32, #tpu.memory_space<hbm>>
      %dma_wait3A_54 = arith.constant 0 : i32
      %dma_wait3A_55 = arith.constant 0 : i32
      %dma_wait3A_56 = tpu.memref_slice %arg8[%mul3A_2, %dma_wait3A_54, %dma_wait3A_55] : memref<16384x1x64xf32, #tpu.memory_space<hbm>> -> memref<512x1x64xf32, #tpu.memory_space<hbm>>
      tpu.wait_dma2 semaphore(%run_scoped3A : memref<!tpu.dma_semaphore, #tpu.memory_space<semaphore_mem>>) src(%arg12 : memref<512x1x64xf32, #tpu.memory_space<vmem>>) dst(%dma_wait3A_56 : memref<512x1x64xf32, #tpu.memory_space<hbm>>)
      tpu.yield
    }) : () -> ()
    "tpu.region"() ({
      %run_scoped3A = tpu.sem_alloc : memref<!tpu.dma_semaphore, #tpu.memory_space<semaphore_mem>>
      %dma_start3A = tpu.memref_slice %arg3[%mul3A_2] : memref<16384xi32, #tpu.memory_space<hbm>> -> memref<512xi32, #tpu.memory_space<hbm>>
      %dma_start3A_46 = tpu.memref_slice %arg3[%mul3A_2] : memref<16384xi32, #tpu.memory_space<hbm>> -> memref<512xi32, #tpu.memory_space<hbm>>
      tpu.enqueue_dma source(%dma_start3A_46 : memref<512xi32, #tpu.memory_space<hbm>>) target(%arg11 : memref<512xi32, #tpu.memory_space<vmem>>) target_semaphore(%run_scoped3A : memref<!tpu.dma_semaphore, #tpu.memory_space<semaphore_mem>>)
      %dma_wait3A_47 = tpu.memref_slice %arg3[%mul3A_2] : memref<16384xi32, #tpu.memory_space<hbm>> -> memref<512xi32, #tpu.memory_space<hbm>>
      %dma_wait3A_48 = tpu.memref_slice %arg3[%mul3A_2] : memref<16384xi32, #tpu.memory_space<hbm>> -> memref<512xi32, #tpu.memory_space<hbm>>
      tpu.wait_dma2 semaphore(%run_scoped3A : memref<!tpu.dma_semaphore, #tpu.memory_space<semaphore_mem>>) src(%dma_wait3A_48 : memref<512xi32, #tpu.memory_space<hbm>>) dst(%arg11 : memref<512xi32, #tpu.memory_space<vmem>>)
      tpu.yield
    }) : () -> ()
    %scan3A_16 = arith.constant 0 : i32
    %scan3A_17 = arith.constant 0 : i32
    %scan3A_18 = arith.constant 32 : i32
    %scan3A_19 = arith.addi %scan3A_17, %scan3A_18 : i32
    %scan3A_20 = arith.constant 1 : i32
    %scan3A_21 = scf.for %scan3A_46 = %scan3A_17 to %scan3A_19 step %scan3A_20 iter_args(%scan3A_47 = %scan3A_16) -> (i32)  : i32 {
      %mul3A_48 = arith.constant 16 : i32
      %mul3A_49 = arith.muli %scan3A_46, %mul3A_48 : i32
      %get3A = arith.index_cast %mul3A_49 : i32 to index
      %get3A_50 = tpu.vector_load %arg11[%get3A] {strides = array<i32>} : memref<512xi32, #tpu.memory_space<vmem>>, vector<16xi32>,
      %get3A_51 = vector.shape_cast %get3A_50 : vector<16xi32> to vector<16xi32>
      %shift_right_logical3A = arith.constant 3 : i32
      %shift_right_logical3A_52 = vector.broadcast %shift_right_logical3A : i32 to vector<16xi32>
      %shift_right_logical3A_53 = arith.shrui %get3A_51, %shift_right_logical3A_52 : vector<16xi32>
      %and3A = arith.constant 7 : i32
      %and3A_54 = vector.broadcast %and3A : i32 to vector<16xi32>
      %and3A_55 = arith.andi %get3A_51, %and3A_54 : vector<16xi32>
      %slice3A = vector.extract_strided_slice %shift_right_logical3A_53 {offsets = [0], sizes = [1], strides = [1]} : vector<16xi32> to vector<1xi32>
      %squeeze3A = vector.extract %slice3A[0] : i32 from vector<1xi32>
      %slice3A_56 = vector.extract_strided_slice %and3A_55 {offsets = [0], sizes = [1], strides = [1]} : vector<16xi32> to vector<1xi32>
      %squeeze3A_57 = vector.extract %slice3A_56[0] : i32 from vector<1xi32>
      %mul3A_58 = arith.constant 16 : i32
      %mul3A_59 = arith.muli %scan3A_46, %mul3A_58 : i32
      %add3A_60 = arith.constant 0 : i32
      %add3A_61 = arith.addi %mul3A_59, %add3A_60 : i32
      %dma_start3A = arith.constant 0 : i32
      %dma_start3A_62 = arith.constant 0 : i32
      %dma_start3A_63 = tpu.memref_slice %arg12[%add3A_61, %dma_start3A, %dma_start3A_62] : memref<512x1x64xf32, #tpu.memory_space<vmem>> -> memref<1x1x64xf32, #tpu.memory_space<vmem>>
      %dma_start3A_64 = arith.constant 0 : i32
      %dma_start3A_65 = tpu.memref_slice %arg6[%squeeze3A, %squeeze3A_57, %dma_start3A_64] : memref<125000x8x64xf32, #tpu.memory_space<hbm>> -> memref<1x1x64xf32, #tpu.memory_space<hbm>>
      %dma_start3A_66 = arith.constant 0 : i32
      %dma_start3A_67 = arith.constant 0 : i32
      %dma_start3A_68 = tpu.memref_slice %arg12[%add3A_61, %dma_start3A_66, %dma_start3A_67] : memref<512x1x64xf32, #tpu.memory_space<vmem>> -> memref<1x1x64xf32, #tpu.memory_space<vmem>>
      %dma_start3A_69 = arith.constant 0 : i32
      %dma_start3A_70 = tpu.memref_slice %arg6[%squeeze3A, %squeeze3A_57, %dma_start3A_69] : memref<125000x8x64xf32, #tpu.memory_space<hbm>> -> memref<1x1x64xf32, #tpu.memory_space<hbm>>
      tpu.enqueue_dma source(%dma_start3A_70 : memref<1x1x64xf32, #tpu.memory_space<hbm>>) target(%dma_start3A_68 : memref<1x1x64xf32, #tpu.memory_space<vmem>>) target_semaphore(%arg13 : memref<!tpu.dma_semaphore, #tpu.memory_space<semaphore_mem>>)
      %slice3A_71 = vector.extract_strided_slice %shift_right_logical3A_53 {offsets = [1], sizes = [1], strides = [1]} : vector<16xi32> to vector<1xi32>
      %squeeze3A_72 = vector.extract %slice3A_71[0] : i32 from vector<1xi32>
      %slice3A_73 = vector.extract_strided_slice %and3A_55 {offsets = [1], sizes = [1], strides = [1]} : vector<16xi32> to vector<1xi32>
      %squeeze3A_74 = vector.extract %slice3A_73[0] : i32 from vector<1xi32>
      %mul3A_75 = arith.constant 16 : i32
      %mul3A_76 = arith.muli %scan3A_46, %mul3A_75 : i32
      %add3A_77 = arith.constant 1 : i32
      %add3A_78 = arith.addi %mul3A_76, %add3A_77 : i32
      %dma_start3A_79 = arith.constant 0 : i32
      %dma_start3A_80 = arith.constant 0 : i32
      %dma_start3A_81 = tpu.memref_slice %arg12[%add3A_78, %dma_start3A_79, %dma_start3A_80] : memref<512x1x64xf32, #tpu.memory_space<vmem>> -> memref<1x1x64xf32, #tpu.memory_space<vmem>>
      %dma_start3A_82 = arith.constant 0 : i32
      %dma_start3A_83 = tpu.memref_slice %arg6[%squeeze3A_72, %squeeze3A_74, %dma_start3A_82] : memref<125000x8x64xf32, #tpu.memory_space<hbm>> -> memref<1x1x64xf32, #tpu.memory_space<hbm>>
      %dma_start3A_84 = arith.constant 0 : i32
      %dma_start3A_85 = arith.constant 0 : i32
      %dma_start3A_86 = tpu.memref_slice %arg12[%add3A_78, %dma_start3A_84, %dma_start3A_85] : memref<512x1x64xf32, #tpu.memory_space<vmem>> -> memref<1x1x64xf32, #tpu.memory_space<vmem>>
      %dma_start3A_87 = arith.constant 0 : i32
      %dma_start3A_88 = tpu.memref_slice %arg6[%squeeze3A_72, %squeeze3A_74, %dma_start3A_87] : memref<125000x8x64xf32, #tpu.memory_space<hbm>> -> memref<1x1x64xf32, #tpu.memory_space<hbm>>
      tpu.enqueue_dma source(%dma_start3A_88 : memref<1x1x64xf32, #tpu.memory_space<hbm>>) target(%dma_start3A_86 : memref<1x1x64xf32, #tpu.memory_space<vmem>>) target_semaphore(%arg13 : memref<!tpu.dma_semaphore, #tpu.memory_space<semaphore_mem>>)
      %slice3A_89 = vector.extract_strided_slice %shift_right_logical3A_53 {offsets = [2], sizes = [1], strides = [1]} : vector<16xi32> to vector<1xi32>
      %squeeze3A_90 = vector.extract %slice3A_89[0] : i32 from vector<1xi32>
      %slice3A_91 = vector.extract_strided_slice %and3A_55 {offsets = [2], sizes = [1], strides = [1]} : vector<16xi32> to vector<1xi32>
      %squeeze3A_92 = vector.extract %slice3A_91[0] : i32 from vector<1xi32>
      %mul3A_93 = arith.constant 16 : i32
      %mul3A_94 = arith.muli %scan3A_46, %mul3A_93 : i32
      %add3A_95 = arith.constant 2 : i32
      %add3A_96 = arith.addi %mul3A_94, %add3A_95 : i32
      %dma_start3A_97 = arith.constant 0 : i32
      %dma_start3A_98 = arith.constant 0 : i32
      %dma_start3A_99 = tpu.memref_slice %arg12[%add3A_96, %dma_start3A_97, %dma_start3A_98] : memref<512x1x64xf32, #tpu.memory_space<vmem>> -> memref<1x1x64xf32, #tpu.memory_space<vmem>>
      %dma_start3A_100 = arith.constant 0 : i32
      %dma_start3A_101 = tpu.memref_slice %arg6[%squeeze3A_90, %squeeze3A_92, %dma_start3A_100] : memref<125000x8x64xf32, #tpu.memory_space<hbm>> -> memref<1x1x64xf32, #tpu.memory_space<hbm>>
      %dma_start3A_102 = arith.constant 0 : i32
      %dma_start3A_103 = arith.constant 0 : i32
      %dma_start3A_104 = tpu.memref_slice %arg12[%add3A_96, %dma_start3A_102, %dma_start3A_103] : memref<512x1x64xf32, #tpu.memory_space<vmem>> -> memref<1x1x64xf32, #tpu.memory_space<vmem>>
      %dma_start3A_105 = arith.constant 0 : i32
      %dma_start3A_106 = tpu.memref_slice %arg6[%squeeze3A_90, %squeeze3A_92, %dma_start3A_105] : memref<125000x8x64xf32, #tpu.memory_space<hbm>> -> memref<1x1x64xf32, #tpu.memory_space<hbm>>
      tpu.enqueue_dma source(%dma_start3A_106 : memref<1x1x64xf32, #tpu.memory_space<hbm>>) target(%dma_start3A_104 : memref<1x1x64xf32, #tpu.memory_space<vmem>>) target_semaphore(%arg13 : memref<!tpu.dma_semaphore, #tpu.memory_space<semaphore_mem>>)
      %slice3A_107 = vector.extract_strided_slice %shift_right_logical3A_53 {offsets = [3], sizes = [1], strides = [1]} : vector<16xi32> to vector<1xi32>
      %squeeze3A_108 = vector.extract %slice3A_107[0] : i32 from vector<1xi32>
      %slice3A_109 = vector.extract_strided_slice %and3A_55 {offsets = [3], sizes = [1], strides = [1]} : vector<16xi32> to vector<1xi32>
      %squeeze3A_110 = vector.extract %slice3A_109[0] : i32 from vector<1xi32>
      %mul3A_111 = arith.constant 16 : i32
      %mul3A_112 = arith.muli %scan3A_46, %mul3A_111 : i32
      %add3A_113 = arith.constant 3 : i32
      %add3A_114 = arith.addi %mul3A_112, %add3A_113 : i32
      %dma_start3A_115 = arith.constant 0 : i32
      %dma_start3A_116 = arith.constant 0 : i32
      %dma_start3A_117 = tpu.memref_slice %arg12[%add3A_114, %dma_start3A_115, %dma_start3A_116] : memref<512x1x64xf32, #tpu.memory_space<vmem>> -> memref<1x1x64xf32, #tpu.memory_space<vmem>>
      %dma_start3A_118 = arith.constant 0 : i32
      %dma_start3A_119 = tpu.memref_slice %arg6[%squeeze3A_108, %squeeze3A_110, %dma_start3A_118] : memref<125000x8x64xf32, #tpu.memory_space<hbm>> -> memref<1x1x64xf32, #tpu.memory_space<hbm>>
      %dma_start3A_120 = arith.constant 0 : i32
      %dma_start3A_121 = arith.constant 0 : i32
      %dma_start3A_122 = tpu.memref_slice %arg12[%add3A_114, %dma_start3A_120, %dma_start3A_121] : memref<512x1x64xf32, #tpu.memory_space<vmem>> -> memref<1x1x64xf32, #tpu.memory_space<vmem>>
      %dma_start3A_123 = arith.constant 0 : i32
      %dma_start3A_124 = tpu.memref_slice %arg6[%squeeze3A_108, %squeeze3A_110, %dma_start3A_123] : memref<125000x8x64xf32, #tpu.memory_space<hbm>> -> memref<1x1x64xf32, #tpu.memory_space<hbm>>
      tpu.enqueue_dma source(%dma_start3A_124 : memref<1x1x64xf32, #tpu.memory_space<hbm>>) target(%dma_start3A_122 : memref<1x1x64xf32, #tpu.memory_space<vmem>>) target_semaphore(%arg13 : memref<!tpu.dma_semaphore, #tpu.memory_space<semaphore_mem>>)
      %slice3A_125 = vector.extract_strided_slice %shift_right_logical3A_53 {offsets = [4], sizes = [1], strides = [1]} : vector<16xi32> to vector<1xi32>
      %squeeze3A_126 = vector.extract %slice3A_125[0] : i32 from vector<1xi32>
      %slice3A_127 = vector.extract_strided_slice %and3A_55 {offsets = [4], sizes = [1], strides = [1]} : vector<16xi32> to vector<1xi32>
      %squeeze3A_128 = vector.extract %slice3A_127[0] : i32 from vector<1xi32>
      %mul3A_129 = arith.constant 16 : i32
      %mul3A_130 = arith.muli %scan3A_46, %mul3A_129 : i32
      %add3A_131 = arith.constant 4 : i32
      %add3A_132 = arith.addi %mul3A_130, %add3A_131 : i32
      %dma_start3A_133 = arith.constant 0 : i32
      %dma_start3A_134 = arith.constant 0 : i32
      %dma_start3A_135 = tpu.memref_slice %arg12[%add3A_132, %dma_start3A_133, %dma_start3A_134] : memref<512x1x64xf32, #tpu.memory_space<vmem>> -> memref<1x1x64xf32, #tpu.memory_space<vmem>>
      %dma_start3A_136 = arith.constant 0 : i32
      %dma_start3A_137 = tpu.memref_slice %arg6[%squeeze3A_126, %squeeze3A_128, %dma_start3A_136] : memref<125000x8x64xf32, #tpu.memory_space<hbm>> -> memref<1x1x64xf32, #tpu.memory_space<hbm>>
      %dma_start3A_138 = arith.constant 0 : i32
      %dma_start3A_139 = arith.constant 0 : i32
      %dma_start3A_140 = tpu.memref_slice %arg12[%add3A_132, %dma_start3A_138, %dma_start3A_139] : memref<512x1x64xf32, #tpu.memory_space<vmem>> -> memref<1x1x64xf32, #tpu.memory_space<vmem>>
      %dma_start3A_141 = arith.constant 0 : i32
      %dma_start3A_142 = tpu.memref_slice %arg6[%squeeze3A_126, %squeeze3A_128, %dma_start3A_141] : memref<125000x8x64xf32, #tpu.memory_space<hbm>> -> memref<1x1x64xf32, #tpu.memory_space<hbm>>
      tpu.enqueue_dma source(%dma_start3A_142 : memref<1x1x64xf32, #tpu.memory_space<hbm>>) target(%dma_start3A_140 : memref<1x1x64xf32, #tpu.memory_space<vmem>>) target_semaphore(%arg13 : memref<!tpu.dma_semaphore, #tpu.memory_space<semaphore_mem>>)
      %slice3A_143 = vector.extract_strided_slice %shift_right_logical3A_53 {offsets = [5], sizes = [1], strides = [1]} : vector<16xi32> to vector<1xi32>
      %squeeze3A_144 = vector.extract %slice3A_143[0] : i32 from vector<1xi32>
      %slice3A_145 = vector.extract_strided_slice %and3A_55 {offsets = [5], sizes = [1], strides = [1]} : vector<16xi32> to vector<1xi32>
      %squeeze3A_146 = vector.extract %slice3A_145[0] : i32 from vector<1xi32>
      %mul3A_147 = arith.constant 16 : i32
      %mul3A_148 = arith.muli %scan3A_46, %mul3A_147 : i32
      %add3A_149 = arith.constant 5 : i32
      %add3A_150 = arith.addi %mul3A_148, %add3A_149 : i32
      %dma_start3A_151 = arith.constant 0 : i32
      %dma_start3A_152 = arith.constant 0 : i32
      %dma_start3A_153 = tpu.memref_slice %arg12[%add3A_150, %dma_start3A_151, %dma_start3A_152] : memref<512x1x64xf32, #tpu.memory_space<vmem>> -> memref<1x1x64xf32, #tpu.memory_space<vmem>>
      %dma_start3A_154 = arith.constant 0 : i32
      %dma_start3A_155 = tpu.memref_slice %arg6[%squeeze3A_144, %squeeze3A_146, %dma_start3A_154] : memref<125000x8x64xf32, #tpu.memory_space<hbm>> -> memref<1x1x64xf32, #tpu.memory_space<hbm>>
      %dma_start3A_156 = arith.constant 0 : i32
      %dma_start3A_157 = arith.constant 0 : i32
      %dma_start3A_158 = tpu.memref_slice %arg12[%add3A_150, %dma_start3A_156, %dma_start3A_157] : memref<512x1x64xf32, #tpu.memory_space<vmem>> -> memref<1x1x64xf32, #tpu.memory_space<vmem>>
      %dma_start3A_159 = arith.constant 0 : i32
      %dma_start3A_160 = tpu.memref_slice %arg6[%squeeze3A_144, %squeeze3A_146, %dma_start3A_159] : memref<125000x8x64xf32, #tpu.memory_space<hbm>> -> memref<1x1x64xf32, #tpu.memory_space<hbm>>
      tpu.enqueue_dma source(%dma_start3A_160 : memref<1x1x64xf32, #tpu.memory_space<hbm>>) target(%dma_start3A_158 : memref<1x1x64xf32, #tpu.memory_space<vmem>>) target_semaphore(%arg13 : memref<!tpu.dma_semaphore, #tpu.memory_space<semaphore_mem>>)
      %slice3A_161 = vector.extract_strided_slice %shift_right_logical3A_53 {offsets = [6], sizes = [1], strides = [1]} : vector<16xi32> to vector<1xi32>
      %squeeze3A_162 = vector.extract %slice3A_161[0] : i32 from vector<1xi32>
      %slice3A_163 = vector.extract_strided_slice %and3A_55 {offsets = [6], sizes = [1], strides = [1]} : vector<16xi32> to vector<1xi32>
      %squeeze3A_164 = vector.extract %slice3A_163[0] : i32 from vector<1xi32>
      %mul3A_165 = arith.constant 16 : i32
      %mul3A_166 = arith.muli %scan3A_46, %mul3A_165 : i32
      %add3A_167 = arith.constant 6 : i32
      %add3A_168 = arith.addi %mul3A_166, %add3A_167 : i32
      %dma_start3A_169 = arith.constant 0 : i32
      %dma_start3A_170 = arith.constant 0 : i32
      %dma_start3A_171 = tpu.memref_slice %arg12[%add3A_168, %dma_start3A_169, %dma_start3A_170] : memref<512x1x64xf32, #tpu.memory_space<vmem>> -> memref<1x1x64xf32, #tpu.memory_space<vmem>>
      %dma_start3A_172 = arith.constant 0 : i32
      %dma_start3A_173 = tpu.memref_slice %arg6[%squeeze3A_162, %squeeze3A_164, %dma_start3A_172] : memref<125000x8x64xf32, #tpu.memory_space<hbm>> -> memref<1x1x64xf32, #tpu.memory_space<hbm>>
      %dma_start3A_174 = arith.constant 0 : i32
      %dma_start3A_175 = arith.constant 0 : i32
      %dma_start3A_176 = tpu.memref_slice %arg12[%add3A_168, %dma_start3A_174, %dma_start3A_175] : memref<512x1x64xf32, #tpu.memory_space<vmem>> -> memref<1x1x64xf32, #tpu.memory_space<vmem>>
      %dma_start3A_177 = arith.constant 0 : i32
      %dma_start3A_178 = tpu.memref_slice %arg6[%squeeze3A_162, %squeeze3A_164, %dma_start3A_177] : memref<125000x8x64xf32, #tpu.memory_space<hbm>> -> memref<1x1x64xf32, #tpu.memory_space<hbm>>
      tpu.enqueue_dma source(%dma_start3A_178 : memref<1x1x64xf32, #tpu.memory_space<hbm>>) target(%dma_start3A_176 : memref<1x1x64xf32, #tpu.memory_space<vmem>>) target_semaphore(%arg13 : memref<!tpu.dma_semaphore, #tpu.memory_space<semaphore_mem>>)
      %slice3A_179 = vector.extract_strided_slice %shift_right_logical3A_53 {offsets = [7], sizes = [1], strides = [1]} : vector<16xi32> to vector<1xi32>
      %squeeze3A_180 = vector.extract %slice3A_179[0] : i32 from vector<1xi32>
      %slice3A_181 = vector.extract_strided_slice %and3A_55 {offsets = [7], sizes = [1], strides = [1]} : vector<16xi32> to vector<1xi32>
      %squeeze3A_182 = vector.extract %slice3A_181[0] : i32 from vector<1xi32>
      %mul3A_183 = arith.constant 16 : i32
      %mul3A_184 = arith.muli %scan3A_46, %mul3A_183 : i32
      %add3A_185 = arith.constant 7 : i32
      %add3A_186 = arith.addi %mul3A_184, %add3A_185 : i32
      %dma_start3A_187 = arith.constant 0 : i32
      %dma_start3A_188 = arith.constant 0 : i32
      %dma_start3A_189 = tpu.memref_slice %arg12[%add3A_186, %dma_start3A_187, %dma_start3A_188] : memref<512x1x64xf32, #tpu.memory_space<vmem>> -> memref<1x1x64xf32, #tpu.memory_space<vmem>>
      %dma_start3A_190 = arith.constant 0 : i32
      %dma_start3A_191 = tpu.memref_slice %arg6[%squeeze3A_180, %squeeze3A_182, %dma_start3A_190] : memref<125000x8x64xf32, #tpu.memory_space<hbm>> -> memref<1x1x64xf32, #tpu.memory_space<hbm>>
      %dma_start3A_192 = arith.constant 0 : i32
      %dma_start3A_193 = arith.constant 0 : i32
      %dma_start3A_194 = tpu.memref_slice %arg12[%add3A_186, %dma_start3A_192, %dma_start3A_193] : memref<512x1x64xf32, #tpu.memory_space<vmem>> -> memref<1x1x64xf32, #tpu.memory_space<vmem>>
      %dma_start3A_195 = arith.constant 0 : i32
      %dma_start3A_196 = tpu.memref_slice %arg6[%squeeze3A_180, %squeeze3A_182, %dma_start3A_195] : memref<125000x8x64xf32, #tpu.memory_space<hbm>> -> memref<1x1x64xf32, #tpu.memory_space<hbm>>
      tpu.enqueue_dma source(%dma_start3A_196 : memref<1x1x64xf32, #tpu.memory_space<hbm>>) target(%dma_start3A_194 : memref<1x1x64xf32, #tpu.memory_space<vmem>>) target_semaphore(%arg13 : memref<!tpu.dma_semaphore, #tpu.memory_space<semaphore_mem>>)
      %slice3A_197 = vector.extract_strided_slice %shift_right_logical3A_53 {offsets = [8], sizes = [1], strides = [1]} : vector<16xi32> to vector<1xi32>
      %squeeze3A_198 = vector.extract %slice3A_197[0] : i32 from vector<1xi32>
      %slice3A_199 = vector.extract_strided_slice %and3A_55 {offsets = [8], sizes = [1], strides = [1]} : vector<16xi32> to vector<1xi32>
      %squeeze3A_200 = vector.extract %slice3A_199[0] : i32 from vector<1xi32>
      %mul3A_201 = arith.constant 16 : i32
      %mul3A_202 = arith.muli %scan3A_46, %mul3A_201 : i32
      %add3A_203 = arith.constant 8 : i32
      %add3A_204 = arith.addi %mul3A_202, %add3A_203 : i32
      %dma_start3A_205 = arith.constant 0 : i32
      %dma_start3A_206 = arith.constant 0 : i32
      %dma_start3A_207 = tpu.memref_slice %arg12[%add3A_204, %dma_start3A_205, %dma_start3A_206] : memref<512x1x64xf32, #tpu.memory_space<vmem>> -> memref<1x1x64xf32, #tpu.memory_space<vmem>>
      %dma_start3A_208 = arith.constant 0 : i32
      %dma_start3A_209 = tpu.memref_slice %arg6[%squeeze3A_198, %squeeze3A_200, %dma_start3A_208] : memref<125000x8x64xf32, #tpu.memory_space<hbm>> -> memref<1x1x64xf32, #tpu.memory_space<hbm>>
      %dma_start3A_210 = arith.constant 0 : i32
      %dma_start3A_211 = arith.constant 0 : i32
      %dma_start3A_212 = tpu.memref_slice %arg12[%add3A_204, %dma_start3A_210, %dma_start3A_211] : memref<512x1x64xf32, #tpu.memory_space<vmem>> -> memref<1x1x64xf32, #tpu.memory_space<vmem>>
      %dma_start3A_213 = arith.constant 0 : i32
      %dma_start3A_214 = tpu.memref_slice %arg6[%squeeze3A_198, %squeeze3A_200, %dma_start3A_213] : memref<125000x8x64xf32, #tpu.memory_space<hbm>> -> memref<1x1x64xf32, #tpu.memory_space<hbm>>
      tpu.enqueue_dma source(%dma_start3A_214 : memref<1x1x64xf32, #tpu.memory_space<hbm>>) target(%dma_start3A_212 : memref<1x1x64xf32, #tpu.memory_space<vmem>>) target_semaphore(%arg13 : memref<!tpu.dma_semaphore, #tpu.memory_space<semaphore_mem>>)
      %slice3A_215 = vector.extract_strided_slice %shift_right_logical3A_53 {offsets = [9], sizes = [1], strides = [1]} : vector<16xi32> to vector<1xi32>
      %squeeze3A_216 = vector.extract %slice3A_215[0] : i32 from vector<1xi32>
      %slice3A_217 = vector.extract_strided_slice %and3A_55 {offsets = [9], sizes = [1], strides = [1]} : vector<16xi32> to vector<1xi32>
      %squeeze3A_218 = vector.extract %slice3A_217[0] : i32 from vector<1xi32>
      %mul3A_219 = arith.constant 16 : i32
      %mul3A_220 = arith.muli %scan3A_46, %mul3A_219 : i32
      %add3A_221 = arith.constant 9 : i32
      %add3A_222 = arith.addi %mul3A_220, %add3A_221 : i32
      %dma_start3A_223 = arith.constant 0 : i32
      %dma_start3A_224 = arith.constant 0 : i32
      %dma_start3A_225 = tpu.memref_slice %arg12[%add3A_222, %dma_start3A_223, %dma_start3A_224] : memref<512x1x64xf32, #tpu.memory_space<vmem>> -> memref<1x1x64xf32, #tpu.memory_space<vmem>>
      %dma_start3A_226 = arith.constant 0 : i32
      %dma_start3A_227 = tpu.memref_slice %arg6[%squeeze3A_216, %squeeze3A_218, %dma_start3A_226] : memref<125000x8x64xf32, #tpu.memory_space<hbm>> -> memref<1x1x64xf32, #tpu.memory_space<hbm>>
      %dma_start3A_228 = arith.constant 0 : i32
      %dma_start3A_229 = arith.constant 0 : i32
      %dma_start3A_230 = tpu.memref_slice %arg12[%add3A_222, %dma_start3A_228, %dma_start3A_229] : memref<512x1x64xf32, #tpu.memory_space<vmem>> -> memref<1x1x64xf32, #tpu.memory_space<vmem>>
      %dma_start3A_231 = arith.constant 0 : i32
      %dma_start3A_232 = tpu.memref_slice %arg6[%squeeze3A_216, %squeeze3A_218, %dma_start3A_231] : memref<125000x8x64xf32, #tpu.memory_space<hbm>> -> memref<1x1x64xf32, #tpu.memory_space<hbm>>
      tpu.enqueue_dma source(%dma_start3A_232 : memref<1x1x64xf32, #tpu.memory_space<hbm>>) target(%dma_start3A_230 : memref<1x1x64xf32, #tpu.memory_space<vmem>>) target_semaphore(%arg13 : memref<!tpu.dma_semaphore, #tpu.memory_space<semaphore_mem>>)
      %slice3A_233 = vector.extract_strided_slice %shift_right_logical3A_53 {offsets = [10], sizes = [1], strides = [1]} : vector<16xi32> to vector<1xi32>
      %squeeze3A_234 = vector.extract %slice3A_233[0] : i32 from vector<1xi32>
      %slice3A_235 = vector.extract_strided_slice %and3A_55 {offsets = [10], sizes = [1], strides = [1]} : vector<16xi32> to vector<1xi32>
      %squeeze3A_236 = vector.extract %slice3A_235[0] : i32 from vector<1xi32>
      %mul3A_237 = arith.constant 16 : i32
      %mul3A_238 = arith.muli %scan3A_46, %mul3A_237 : i32
      %add3A_239 = arith.constant 10 : i32
      %add3A_240 = arith.addi %mul3A_238, %add3A_239 : i32
      %dma_start3A_241 = arith.constant 0 : i32
      %dma_start3A_242 = arith.constant 0 : i32
      %dma_start3A_243 = tpu.memref_slice %arg12[%add3A_240, %dma_start3A_241, %dma_start3A_242] : memref<512x1x64xf32, #tpu.memory_space<vmem>> -> memref<1x1x64xf32, #tpu.memory_space<vmem>>
      %dma_start3A_244 = arith.constant 0 : i32
      %dma_start3A_245 = tpu.memref_slice %arg6[%squeeze3A_234, %squeeze3A_236, %dma_start3A_244] : memref<125000x8x64xf32, #tpu.memory_space<hbm>> -> memref<1x1x64xf32, #tpu.memory_space<hbm>>
      %dma_start3A_246 = arith.constant 0 : i32
      %dma_start3A_247 = arith.constant 0 : i32
      %dma_start3A_248 = tpu.memref_slice %arg12[%add3A_240, %dma_start3A_246, %dma_start3A_247] : memref<512x1x64xf32, #tpu.memory_space<vmem>> -> memref<1x1x64xf32, #tpu.memory_space<vmem>>
      %dma_start3A_249 = arith.constant 0 : i32
      %dma_start3A_250 = tpu.memref_slice %arg6[%squeeze3A_234, %squeeze3A_236, %dma_start3A_249] : memref<125000x8x64xf32, #tpu.memory_space<hbm>> -> memref<1x1x64xf32, #tpu.memory_space<hbm>>
      tpu.enqueue_dma source(%dma_start3A_250 : memref<1x1x64xf32, #tpu.memory_space<hbm>>) target(%dma_start3A_248 : memref<1x1x64xf32, #tpu.memory_space<vmem>>) target_semaphore(%arg13 : memref<!tpu.dma_semaphore, #tpu.memory_space<semaphore_mem>>)
      %slice3A_251 = vector.extract_strided_slice %shift_right_logical3A_53 {offsets = [11], sizes = [1], strides = [1]} : vector<16xi32> to vector<1xi32>
      %squeeze3A_252 = vector.extract %slice3A_251[0] : i32 from vector<1xi32>
      %slice3A_253 = vector.extract_strided_slice %and3A_55 {offsets = [11], sizes = [1], strides = [1]} : vector<16xi32> to vector<1xi32>
      %squeeze3A_254 = vector.extract %slice3A_253[0] : i32 from vector<1xi32>
      %mul3A_255 = arith.constant 16 : i32
      %mul3A_256 = arith.muli %scan3A_46, %mul3A_255 : i32
      %add3A_257 = arith.constant 11 : i32
      %add3A_258 = arith.addi %mul3A_256, %add3A_257 : i32
      %dma_start3A_259 = arith.constant 0 : i32
      %dma_start3A_260 = arith.constant 0 : i32
      %dma_start3A_261 = tpu.memref_slice %arg12[%add3A_258, %dma_start3A_259, %dma_start3A_260] : memref<512x1x64xf32, #tpu.memory_space<vmem>> -> memref<1x1x64xf32, #tpu.memory_space<vmem>>
      %dma_start3A_262 = arith.constant 0 : i32
      %dma_start3A_263 = tpu.memref_slice %arg6[%squeeze3A_252, %squeeze3A_254, %dma_start3A_262] : memref<125000x8x64xf32, #tpu.memory_space<hbm>> -> memref<1x1x64xf32, #tpu.memory_space<hbm>>
      %dma_start3A_264 = arith.constant 0 : i32
      %dma_start3A_265 = arith.constant 0 : i32
      %dma_start3A_266 = tpu.memref_slice %arg12[%add3A_258, %dma_start3A_264, %dma_start3A_265] : memref<512x1x64xf32, #tpu.memory_space<vmem>> -> memref<1x1x64xf32, #tpu.memory_space<vmem>>
      %dma_start3A_267 = arith.constant 0 : i32
      %dma_start3A_268 = tpu.memref_slice %arg6[%squeeze3A_252, %squeeze3A_254, %dma_start3A_267] : memref<125000x8x64xf32, #tpu.memory_space<hbm>> -> memref<1x1x64xf32, #tpu.memory_space<hbm>>
      tpu.enqueue_dma source(%dma_start3A_268 : memref<1x1x64xf32, #tpu.memory_space<hbm>>) target(%dma_start3A_266 : memref<1x1x64xf32, #tpu.memory_space<vmem>>) target_semaphore(%arg13 : memref<!tpu.dma_semaphore, #tpu.memory_space<semaphore_mem>>)
      %slice3A_269 = vector.extract_strided_slice %shift_right_logical3A_53 {offsets = [12], sizes = [1], strides = [1]} : vector<16xi32> to vector<1xi32>
      %squeeze3A_270 = vector.extract %slice3A_269[0] : i32 from vector<1xi32>
      %slice3A_271 = vector.extract_strided_slice %and3A_55 {offsets = [12], sizes = [1], strides = [1]} : vector<16xi32> to vector<1xi32>
      %squeeze3A_272 = vector.extract %slice3A_271[0] : i32 from vector<1xi32>
      %mul3A_273 = arith.constant 16 : i32
      %mul3A_274 = arith.muli %scan3A_46, %mul3A_273 : i32
      %add3A_275 = arith.constant 12 : i32
      %add3A_276 = arith.addi %mul3A_274, %add3A_275 : i32
      %dma_start3A_277 = arith.constant 0 : i32
      %dma_start3A_278 = arith.constant 0 : i32
      %dma_start3A_279 = tpu.memref_slice %arg12[%add3A_276, %dma_start3A_277, %dma_start3A_278] : memref<512x1x64xf32, #tpu.memory_space<vmem>> -> memref<1x1x64xf32, #tpu.memory_space<vmem>>
      %dma_start3A_280 = arith.constant 0 : i32
      %dma_start3A_281 = tpu.memref_slice %arg6[%squeeze3A_270, %squeeze3A_272, %dma_start3A_280] : memref<125000x8x64xf32, #tpu.memory_space<hbm>> -> memref<1x1x64xf32, #tpu.memory_space<hbm>>
      %dma_start3A_282 = arith.constant 0 : i32
      %dma_start3A_283 = arith.constant 0 : i32
      %dma_start3A_284 = tpu.memref_slice %arg12[%add3A_276, %dma_start3A_282, %dma_start3A_283] : memref<512x1x64xf32, #tpu.memory_space<vmem>> -> memref<1x1x64xf32, #tpu.memory_space<vmem>>
      %dma_start3A_285 = arith.constant 0 : i32
      %dma_start3A_286 = tpu.memref_slice %arg6[%squeeze3A_270, %squeeze3A_272, %dma_start3A_285] : memref<125000x8x64xf32, #tpu.memory_space<hbm>> -> memref<1x1x64xf32, #tpu.memory_space<hbm>>
      tpu.enqueue_dma source(%dma_start3A_286 : memref<1x1x64xf32, #tpu.memory_space<hbm>>) target(%dma_start3A_284 : memref<1x1x64xf32, #tpu.memory_space<vmem>>) target_semaphore(%arg13 : memref<!tpu.dma_semaphore, #tpu.memory_space<semaphore_mem>>)
      %slice3A_287 = vector.extract_strided_slice %shift_right_logical3A_53 {offsets = [13], sizes = [1], strides = [1]} : vector<16xi32> to vector<1xi32>
      %squeeze3A_288 = vector.extract %slice3A_287[0] : i32 from vector<1xi32>
      %slice3A_289 = vector.extract_strided_slice %and3A_55 {offsets = [13], sizes = [1], strides = [1]} : vector<16xi32> to vector<1xi32>
      %squeeze3A_290 = vector.extract %slice3A_289[0] : i32 from vector<1xi32>
      %mul3A_291 = arith.constant 16 : i32
      %mul3A_292 = arith.muli %scan3A_46, %mul3A_291 : i32
      %add3A_293 = arith.constant 13 : i32
      %add3A_294 = arith.addi %mul3A_292, %add3A_293 : i32
      %dma_start3A_295 = arith.constant 0 : i32
      %dma_start3A_296 = arith.constant 0 : i32
      %dma_start3A_297 = tpu.memref_slice %arg12[%add3A_294, %dma_start3A_295, %dma_start3A_296] : memref<512x1x64xf32, #tpu.memory_space<vmem>> -> memref<1x1x64xf32, #tpu.memory_space<vmem>>
      %dma_start3A_298 = arith.constant 0 : i32
      %dma_start3A_299 = tpu.memref_slice %arg6[%squeeze3A_288, %squeeze3A_290, %dma_start3A_298] : memref<125000x8x64xf32, #tpu.memory_space<hbm>> -> memref<1x1x64xf32, #tpu.memory_space<hbm>>
      %dma_start3A_300 = arith.constant 0 : i32
      %dma_start3A_301 = arith.constant 0 : i32
      %dma_start3A_302 = tpu.memref_slice %arg12[%add3A_294, %dma_start3A_300, %dma_start3A_301] : memref<512x1x64xf32, #tpu.memory_space<vmem>> -> memref<1x1x64xf32, #tpu.memory_space<vmem>>
      %dma_start3A_303 = arith.constant 0 : i32
      %dma_start3A_304 = tpu.memref_slice %arg6[%squeeze3A_288, %squeeze3A_290, %dma_start3A_303] : memref<125000x8x64xf32, #tpu.memory_space<hbm>> -> memref<1x1x64xf32, #tpu.memory_space<hbm>>
      tpu.enqueue_dma source(%dma_start3A_304 : memref<1x1x64xf32, #tpu.memory_space<hbm>>) target(%dma_start3A_302 : memref<1x1x64xf32, #tpu.memory_space<vmem>>) target_semaphore(%arg13 : memref<!tpu.dma_semaphore, #tpu.memory_space<semaphore_mem>>)
      %slice3A_305 = vector.extract_strided_slice %shift_right_logical3A_53 {offsets = [14], sizes = [1], strides = [1]} : vector<16xi32> to vector<1xi32>
      %squeeze3A_306 = vector.extract %slice3A_305[0] : i32 from vector<1xi32>
      %slice3A_307 = vector.extract_strided_slice %and3A_55 {offsets = [14], sizes = [1], strides = [1]} : vector<16xi32> to vector<1xi32>
      %squeeze3A_308 = vector.extract %slice3A_307[0] : i32 from vector<1xi32>
      %mul3A_309 = arith.constant 16 : i32
      %mul3A_310 = arith.muli %scan3A_46, %mul3A_309 : i32
      %add3A_311 = arith.constant 14 : i32
      %add3A_312 = arith.addi %mul3A_310, %add3A_311 : i32
      %dma_start3A_313 = arith.constant 0 : i32
      %dma_start3A_314 = arith.constant 0 : i32
      %dma_start3A_315 = tpu.memref_slice %arg12[%add3A_312, %dma_start3A_313, %dma_start3A_314] : memref<512x1x64xf32, #tpu.memory_space<vmem>> -> memref<1x1x64xf32, #tpu.memory_space<vmem>>
      %dma_start3A_316 = arith.constant 0 : i32
      %dma_start3A_317 = tpu.memref_slice %arg6[%squeeze3A_306, %squeeze3A_308, %dma_start3A_316] : memref<125000x8x64xf32, #tpu.memory_space<hbm>> -> memref<1x1x64xf32, #tpu.memory_space<hbm>>
      %dma_start3A_318 = arith.constant 0 : i32
      %dma_start3A_319 = arith.constant 0 : i32
      %dma_start3A_320 = tpu.memref_slice %arg12[%add3A_312, %dma_start3A_318, %dma_start3A_319] : memref<512x1x64xf32, #tpu.memory_space<vmem>> -> memref<1x1x64xf32, #tpu.memory_space<vmem>>
      %dma_start3A_321 = arith.constant 0 : i32
      %dma_start3A_322 = tpu.memref_slice %arg6[%squeeze3A_306, %squeeze3A_308, %dma_start3A_321] : memref<125000x8x64xf32, #tpu.memory_space<hbm>> -> memref<1x1x64xf32, #tpu.memory_space<hbm>>
      tpu.enqueue_dma source(%dma_start3A_322 : memref<1x1x64xf32, #tpu.memory_space<hbm>>) target(%dma_start3A_320 : memref<1x1x64xf32, #tpu.memory_space<vmem>>) target_semaphore(%arg13 : memref<!tpu.dma_semaphore, #tpu.memory_space<semaphore_mem>>)
      %slice3A_323 = vector.extract_strided_slice %shift_right_logical3A_53 {offsets = [15], sizes = [1], strides = [1]} : vector<16xi32> to vector<1xi32>
      %squeeze3A_324 = vector.extract %slice3A_323[0] : i32 from vector<1xi32>
      %slice3A_325 = vector.extract_strided_slice %and3A_55 {offsets = [15], sizes = [1], strides = [1]} : vector<16xi32> to vector<1xi32>
      %squeeze3A_326 = vector.extract %slice3A_325[0] : i32 from vector<1xi32>
      %mul3A_327 = arith.constant 16 : i32
      %mul3A_328 = arith.muli %scan3A_46, %mul3A_327 : i32
      %add3A_329 = arith.constant 15 : i32
      %add3A_330 = arith.addi %mul3A_328, %add3A_329 : i32
      %dma_start3A_331 = arith.constant 0 : i32
      %dma_start3A_332 = arith.constant 0 : i32
      %dma_start3A_333 = tpu.memref_slice %arg12[%add3A_330, %dma_start3A_331, %dma_start3A_332] : memref<512x1x64xf32, #tpu.memory_space<vmem>> -> memref<1x1x64xf32, #tpu.memory_space<vmem>>
      %dma_start3A_334 = arith.constant 0 : i32
      %dma_start3A_335 = tpu.memref_slice %arg6[%squeeze3A_324, %squeeze3A_326, %dma_start3A_334] : memref<125000x8x64xf32, #tpu.memory_space<hbm>> -> memref<1x1x64xf32, #tpu.memory_space<hbm>>
      %dma_start3A_336 = arith.constant 0 : i32
      %dma_start3A_337 = arith.constant 0 : i32
      %dma_start3A_338 = tpu.memref_slice %arg12[%add3A_330, %dma_start3A_336, %dma_start3A_337] : memref<512x1x64xf32, #tpu.memory_space<vmem>> -> memref<1x1x64xf32, #tpu.memory_space<vmem>>
      %dma_start3A_339 = arith.constant 0 : i32
      %dma_start3A_340 = tpu.memref_slice %arg6[%squeeze3A_324, %squeeze3A_326, %dma_start3A_339] : memref<125000x8x64xf32, #tpu.memory_space<hbm>> -> memref<1x1x64xf32, #tpu.memory_space<hbm>>
      tpu.enqueue_dma source(%dma_start3A_340 : memref<1x1x64xf32, #tpu.memory_space<hbm>>) target(%dma_start3A_338 : memref<1x1x64xf32, #tpu.memory_space<vmem>>) target_semaphore(%arg13 : memref<!tpu.dma_semaphore, #tpu.memory_space<semaphore_mem>>)
      %scan3A_341 = arith.constant 0 : i32
      scf.yield %scan3A_341 : i32
    }
    %scan3A_22 = arith.constant 32 : i32
    %dma_wait3A_23 = arith.constant 0 : i32
    %dma_wait3A_24 = arith.constant 0 : i32
    %dma_wait3A_25 = arith.constant 0 : i32
    %dma_wait3A_26 = tpu.memref_slice %arg6[%dma_wait3A_23, %dma_wait3A_24, %dma_wait3A_25] : memref<125000x8x64xf32, #tpu.memory_space<hbm>> -> memref<512x1x64xf32, #tpu.memory_space<hbm>>
    %dma_wait3A_27 = arith.constant 0 : i32
    %dma_wait3A_28 = arith.constant 0 : i32
    %dma_wait3A_29 = arith.constant 0 : i32
    %dma_wait3A_30 = tpu.memref_slice %arg6[%dma_wait3A_27, %dma_wait3A_28, %dma_wait3A_29] : memref<125000x8x64xf32, #tpu.memory_space<hbm>> -> memref<512x1x64xf32, #tpu.memory_space<hbm>>
    tpu.wait_dma2 semaphore(%arg13 : memref<!tpu.dma_semaphore, #tpu.memory_space<semaphore_mem>>) src(%dma_wait3A_30 : memref<512x1x64xf32, #tpu.memory_space<hbm>>) dst(%arg12 : memref<512x1x64xf32, #tpu.memory_space<vmem>>)
    "tpu.region"() ({
      %run_scoped3A = tpu.sem_alloc : memref<!tpu.dma_semaphore, #tpu.memory_space<semaphore_mem>>
      %dma_start3A = arith.constant 0 : i32
      %dma_start3A_46 = arith.constant 0 : i32
      %dma_start3A_47 = tpu.memref_slice %arg9[%mul3A_2, %dma_start3A, %dma_start3A_46] : memref<16384x1x64xf32, #tpu.memory_space<hbm>> -> memref<512x1x64xf32, #tpu.memory_space<hbm>>
      %dma_start3A_48 = arith.constant 0 : i32
      %dma_start3A_49 = arith.constant 0 : i32
      %dma_start3A_50 = tpu.memref_slice %arg9[%mul3A_2, %dma_start3A_48, %dma_start3A_49] : memref<16384x1x64xf32, #tpu.memory_space<hbm>> -> memref<512x1x64xf32, #tpu.memory_space<hbm>>
      tpu.enqueue_dma source(%arg12 : memref<512x1x64xf32, #tpu.memory_space<vmem>>) target(%dma_start3A_50 : memref<512x1x64xf32, #tpu.memory_space<hbm>>) target_semaphore(%run_scoped3A : memref<!tpu.dma_semaphore, #tpu.memory_space<semaphore_mem>>)
      %dma_wait3A_51 = arith.constant 0 : i32
      %dma_wait3A_52 = arith.constant 0 : i32
      %dma_wait3A_53 = tpu.memref_slice %arg9[%mul3A_2, %dma_wait3A_51, %dma_wait3A_52] : memref<16384x1x64xf32, #tpu.memory_space<hbm>> -> memref<512x1x64xf32, #tpu.memory_space<hbm>>
      %dma_wait3A_54 = arith.constant 0 : i32
      %dma_wait3A_55 = arith.constant 0 : i32
      %dma_wait3A_56 = tpu.memref_slice %arg9[%mul3A_2, %dma_wait3A_54, %dma_wait3A_55] : memref<16384x1x64xf32, #tpu.memory_space<hbm>> -> memref<512x1x64xf32, #tpu.memory_space<hbm>>
      tpu.wait_dma2 semaphore(%run_scoped3A : memref<!tpu.dma_semaphore, #tpu.memory_space<semaphore_mem>>) src(%arg12 : memref<512x1x64xf32, #tpu.memory_space<vmem>>) dst(%dma_wait3A_56 : memref<512x1x64xf32, #tpu.memory_space<hbm>>)
      tpu.yield
    }) : () -> ()
    "tpu.region"() ({
      %run_scoped3A = tpu.sem_alloc : memref<!tpu.dma_semaphore, #tpu.memory_space<semaphore_mem>>
      %dma_start3A = tpu.memref_slice %arg4[%mul3A_2] : memref<16384xi32, #tpu.memory_space<hbm>> -> memref<512xi32, #tpu.memory_space<hbm>>
      %dma_start3A_46 = tpu.memref_slice %arg4[%mul3A_2] : memref<16384xi32, #tpu.memory_space<hbm>> -> memref<512xi32, #tpu.memory_space<hbm>>
      tpu.enqueue_dma source(%dma_start3A_46 : memref<512xi32, #tpu.memory_space<hbm>>) target(%arg11 : memref<512xi32, #tpu.memory_space<vmem>>) target_semaphore(%run_scoped3A : memref<!tpu.dma_semaphore, #tpu.memory_space<semaphore_mem>>)
      %dma_wait3A_47 = tpu.memref_slice %arg4[%mul3A_2] : memref<16384xi32, #tpu.memory_space<hbm>> -> memref<512xi32, #tpu.memory_space<hbm>>
      %dma_wait3A_48 = tpu.memref_slice %arg4[%mul3A_2] : memref<16384xi32, #tpu.memory_space<hbm>> -> memref<512xi32, #tpu.memory_space<hbm>>
      tpu.wait_dma2 semaphore(%run_scoped3A : memref<!tpu.dma_semaphore, #tpu.memory_space<semaphore_mem>>) src(%dma_wait3A_48 : memref<512xi32, #tpu.memory_space<hbm>>) dst(%arg11 : memref<512xi32, #tpu.memory_space<vmem>>)
      tpu.yield
    }) : () -> ()
    %scan3A_31 = arith.constant 0 : i32
    %scan3A_32 = arith.constant 0 : i32
    %scan3A_33 = arith.constant 32 : i32
    %scan3A_34 = arith.addi %scan3A_32, %scan3A_33 : i32
    %scan3A_35 = arith.constant 1 : i32
    %scan3A_36 = scf.for %scan3A_46 = %scan3A_32 to %scan3A_34 step %scan3A_35 iter_args(%scan3A_47 = %scan3A_31) -> (i32)  : i32 {
      %mul3A_48 = arith.constant 16 : i32
      %mul3A_49 = arith.muli %scan3A_46, %mul3A_48 : i32
      %get3A = arith.index_cast %mul3A_49 : i32 to index
      %get3A_50 = tpu.vector_load %arg11[%get3A] {strides = array<i32>} : memref<512xi32, #tpu.memory_space<vmem>>, vector<16xi32>,
      %get3A_51 = vector.shape_cast %get3A_50 : vector<16xi32> to vector<16xi32>
      %shift_right_logical3A = arith.constant 3 : i32
      %shift_right_logical3A_52 = vector.broadcast %shift_right_logical3A : i32 to vector<16xi32>
      %shift_right_logical3A_53 = arith.shrui %get3A_51, %shift_right_logical3A_52 : vector<16xi32>
      %and3A = arith.constant 7 : i32
      %and3A_54 = vector.broadcast %and3A : i32 to vector<16xi32>
      %and3A_55 = arith.andi %get3A_51, %and3A_54 : vector<16xi32>
      %slice3A = vector.extract_strided_slice %shift_right_logical3A_53 {offsets = [0], sizes = [1], strides = [1]} : vector<16xi32> to vector<1xi32>
      %squeeze3A = vector.extract %slice3A[0] : i32 from vector<1xi32>
      %slice3A_56 = vector.extract_strided_slice %and3A_55 {offsets = [0], sizes = [1], strides = [1]} : vector<16xi32> to vector<1xi32>
      %squeeze3A_57 = vector.extract %slice3A_56[0] : i32 from vector<1xi32>
      %mul3A_58 = arith.constant 16 : i32
      %mul3A_59 = arith.muli %scan3A_46, %mul3A_58 : i32
      %add3A_60 = arith.constant 0 : i32
      %add3A_61 = arith.addi %mul3A_59, %add3A_60 : i32
      %dma_start3A = arith.constant 0 : i32
      %dma_start3A_62 = arith.constant 0 : i32
      %dma_start3A_63 = tpu.memref_slice %arg12[%add3A_61, %dma_start3A, %dma_start3A_62] : memref<512x1x64xf32, #tpu.memory_space<vmem>> -> memref<1x1x64xf32, #tpu.memory_space<vmem>>
      %dma_start3A_64 = arith.constant 0 : i32
      %dma_start3A_65 = tpu.memref_slice %arg7[%squeeze3A, %squeeze3A_57, %dma_start3A_64] : memref<125000x8x64xf32, #tpu.memory_space<hbm>> -> memref<1x1x64xf32, #tpu.memory_space<hbm>>
      %dma_start3A_66 = arith.constant 0 : i32
      %dma_start3A_67 = arith.constant 0 : i32
      %dma_start3A_68 = tpu.memref_slice %arg12[%add3A_61, %dma_start3A_66, %dma_start3A_67] : memref<512x1x64xf32, #tpu.memory_space<vmem>> -> memref<1x1x64xf32, #tpu.memory_space<vmem>>
      %dma_start3A_69 = arith.constant 0 : i32
      %dma_start3A_70 = tpu.memref_slice %arg7[%squeeze3A, %squeeze3A_57, %dma_start3A_69] : memref<125000x8x64xf32, #tpu.memory_space<hbm>> -> memref<1x1x64xf32, #tpu.memory_space<hbm>>
      tpu.enqueue_dma source(%dma_start3A_70 : memref<1x1x64xf32, #tpu.memory_space<hbm>>) target(%dma_start3A_68 : memref<1x1x64xf32, #tpu.memory_space<vmem>>) target_semaphore(%arg13 : memref<!tpu.dma_semaphore, #tpu.memory_space<semaphore_mem>>)
      %slice3A_71 = vector.extract_strided_slice %shift_right_logical3A_53 {offsets = [1], sizes = [1], strides = [1]} : vector<16xi32> to vector<1xi32>
      %squeeze3A_72 = vector.extract %slice3A_71[0] : i32 from vector<1xi32>
      %slice3A_73 = vector.extract_strided_slice %and3A_55 {offsets = [1], sizes = [1], strides = [1]} : vector<16xi32> to vector<1xi32>
      %squeeze3A_74 = vector.extract %slice3A_73[0] : i32 from vector<1xi32>
      %mul3A_75 = arith.constant 16 : i32
      %mul3A_76 = arith.muli %scan3A_46, %mul3A_75 : i32
      %add3A_77 = arith.constant 1 : i32
      %add3A_78 = arith.addi %mul3A_76, %add3A_77 : i32
      %dma_start3A_79 = arith.constant 0 : i32
      %dma_start3A_80 = arith.constant 0 : i32
      %dma_start3A_81 = tpu.memref_slice %arg12[%add3A_78, %dma_start3A_79, %dma_start3A_80] : memref<512x1x64xf32, #tpu.memory_space<vmem>> -> memref<1x1x64xf32, #tpu.memory_space<vmem>>
      %dma_start3A_82 = arith.constant 0 : i32
      %dma_start3A_83 = tpu.memref_slice %arg7[%squeeze3A_72, %squeeze3A_74, %dma_start3A_82] : memref<125000x8x64xf32, #tpu.memory_space<hbm>> -> memref<1x1x64xf32, #tpu.memory_space<hbm>>
      %dma_start3A_84 = arith.constant 0 : i32
      %dma_start3A_85 = arith.constant 0 : i32
      %dma_start3A_86 = tpu.memref_slice %arg12[%add3A_78, %dma_start3A_84, %dma_start3A_85] : memref<512x1x64xf32, #tpu.memory_space<vmem>> -> memref<1x1x64xf32, #tpu.memory_space<vmem>>
      %dma_start3A_87 = arith.constant 0 : i32
      %dma_start3A_88 = tpu.memref_slice %arg7[%squeeze3A_72, %squeeze3A_74, %dma_start3A_87] : memref<125000x8x64xf32, #tpu.memory_space<hbm>> -> memref<1x1x64xf32, #tpu.memory_space<hbm>>
      tpu.enqueue_dma source(%dma_start3A_88 : memref<1x1x64xf32, #tpu.memory_space<hbm>>) target(%dma_start3A_86 : memref<1x1x64xf32, #tpu.memory_space<vmem>>) target_semaphore(%arg13 : memref<!tpu.dma_semaphore, #tpu.memory_space<semaphore_mem>>)
      %slice3A_89 = vector.extract_strided_slice %shift_right_logical3A_53 {offsets = [2], sizes = [1], strides = [1]} : vector<16xi32> to vector<1xi32>
      %squeeze3A_90 = vector.extract %slice3A_89[0] : i32 from vector<1xi32>
      %slice3A_91 = vector.extract_strided_slice %and3A_55 {offsets = [2], sizes = [1], strides = [1]} : vector<16xi32> to vector<1xi32>
      %squeeze3A_92 = vector.extract %slice3A_91[0] : i32 from vector<1xi32>
      %mul3A_93 = arith.constant 16 : i32
      %mul3A_94 = arith.muli %scan3A_46, %mul3A_93 : i32
      %add3A_95 = arith.constant 2 : i32
      %add3A_96 = arith.addi %mul3A_94, %add3A_95 : i32
      %dma_start3A_97 = arith.constant 0 : i32
      %dma_start3A_98 = arith.constant 0 : i32
      %dma_start3A_99 = tpu.memref_slice %arg12[%add3A_96, %dma_start3A_97, %dma_start3A_98] : memref<512x1x64xf32, #tpu.memory_space<vmem>> -> memref<1x1x64xf32, #tpu.memory_space<vmem>>
      %dma_start3A_100 = arith.constant 0 : i32
      %dma_start3A_101 = tpu.memref_slice %arg7[%squeeze3A_90, %squeeze3A_92, %dma_start3A_100] : memref<125000x8x64xf32, #tpu.memory_space<hbm>> -> memref<1x1x64xf32, #tpu.memory_space<hbm>>
      %dma_start3A_102 = arith.constant 0 : i32
      %dma_start3A_103 = arith.constant 0 : i32
      %dma_start3A_104 = tpu.memref_slice %arg12[%add3A_96, %dma_start3A_102, %dma_start3A_103] : memref<512x1x64xf32, #tpu.memory_space<vmem>> -> memref<1x1x64xf32, #tpu.memory_space<vmem>>
      %dma_start3A_105 = arith.constant 0 : i32
      %dma_start3A_106 = tpu.memref_slice %arg7[%squeeze3A_90, %squeeze3A_92, %dma_start3A_105] : memref<125000x8x64xf32, #tpu.memory_space<hbm>> -> memref<1x1x64xf32, #tpu.memory_space<hbm>>
      tpu.enqueue_dma source(%dma_start3A_106 : memref<1x1x64xf32, #tpu.memory_space<hbm>>) target(%dma_start3A_104 : memref<1x1x64xf32, #tpu.memory_space<vmem>>) target_semaphore(%arg13 : memref<!tpu.dma_semaphore, #tpu.memory_space<semaphore_mem>>)
      %slice3A_107 = vector.extract_strided_slice %shift_right_logical3A_53 {offsets = [3], sizes = [1], strides = [1]} : vector<16xi32> to vector<1xi32>
      %squeeze3A_108 = vector.extract %slice3A_107[0] : i32 from vector<1xi32>
      %slice3A_109 = vector.extract_strided_slice %and3A_55 {offsets = [3], sizes = [1], strides = [1]} : vector<16xi32> to vector<1xi32>
      %squeeze3A_110 = vector.extract %slice3A_109[0] : i32 from vector<1xi32>
      %mul3A_111 = arith.constant 16 : i32
      %mul3A_112 = arith.muli %scan3A_46, %mul3A_111 : i32
      %add3A_113 = arith.constant 3 : i32
      %add3A_114 = arith.addi %mul3A_112, %add3A_113 : i32
      %dma_start3A_115 = arith.constant 0 : i32
      %dma_start3A_116 = arith.constant 0 : i32
      %dma_start3A_117 = tpu.memref_slice %arg12[%add3A_114, %dma_start3A_115, %dma_start3A_116] : memref<512x1x64xf32, #tpu.memory_space<vmem>> -> memref<1x1x64xf32, #tpu.memory_space<vmem>>
      %dma_start3A_118 = arith.constant 0 : i32
      %dma_start3A_119 = tpu.memref_slice %arg7[%squeeze3A_108, %squeeze3A_110, %dma_start3A_118] : memref<125000x8x64xf32, #tpu.memory_space<hbm>> -> memref<1x1x64xf32, #tpu.memory_space<hbm>>
      %dma_start3A_120 = arith.constant 0 : i32
      %dma_start3A_121 = arith.constant 0 : i32
      %dma_start3A_122 = tpu.memref_slice %arg12[%add3A_114, %dma_start3A_120, %dma_start3A_121] : memref<512x1x64xf32, #tpu.memory_space<vmem>> -> memref<1x1x64xf32, #tpu.memory_space<vmem>>
      %dma_start3A_123 = arith.constant 0 : i32
      %dma_start3A_124 = tpu.memref_slice %arg7[%squeeze3A_108, %squeeze3A_110, %dma_start3A_123] : memref<125000x8x64xf32, #tpu.memory_space<hbm>> -> memref<1x1x64xf32, #tpu.memory_space<hbm>>
      tpu.enqueue_dma source(%dma_start3A_124 : memref<1x1x64xf32, #tpu.memory_space<hbm>>) target(%dma_start3A_122 : memref<1x1x64xf32, #tpu.memory_space<vmem>>) target_semaphore(%arg13 : memref<!tpu.dma_semaphore, #tpu.memory_space<semaphore_mem>>)
      %slice3A_125 = vector.extract_strided_slice %shift_right_logical3A_53 {offsets = [4], sizes = [1], strides = [1]} : vector<16xi32> to vector<1xi32>
      %squeeze3A_126 = vector.extract %slice3A_125[0] : i32 from vector<1xi32>
      %slice3A_127 = vector.extract_strided_slice %and3A_55 {offsets = [4], sizes = [1], strides = [1]} : vector<16xi32> to vector<1xi32>
      %squeeze3A_128 = vector.extract %slice3A_127[0] : i32 from vector<1xi32>
      %mul3A_129 = arith.constant 16 : i32
      %mul3A_130 = arith.muli %scan3A_46, %mul3A_129 : i32
      %add3A_131 = arith.constant 4 : i32
      %add3A_132 = arith.addi %mul3A_130, %add3A_131 : i32
      %dma_start3A_133 = arith.constant 0 : i32
      %dma_start3A_134 = arith.constant 0 : i32
      %dma_start3A_135 = tpu.memref_slice %arg12[%add3A_132, %dma_start3A_133, %dma_start3A_134] : memref<512x1x64xf32, #tpu.memory_space<vmem>> -> memref<1x1x64xf32, #tpu.memory_space<vmem>>
      %dma_start3A_136 = arith.constant 0 : i32
      %dma_start3A_137 = tpu.memref_slice %arg7[%squeeze3A_126, %squeeze3A_128, %dma_start3A_136] : memref<125000x8x64xf32, #tpu.memory_space<hbm>> -> memref<1x1x64xf32, #tpu.memory_space<hbm>>
      %dma_start3A_138 = arith.constant 0 : i32
      %dma_start3A_139 = arith.constant 0 : i32
      %dma_start3A_140 = tpu.memref_slice %arg12[%add3A_132, %dma_start3A_138, %dma_start3A_139] : memref<512x1x64xf32, #tpu.memory_space<vmem>> -> memref<1x1x64xf32, #tpu.memory_space<vmem>>
      %dma_start3A_141 = arith.constant 0 : i32
      %dma_start3A_142 = tpu.memref_slice %arg7[%squeeze3A_126, %squeeze3A_128, %dma_start3A_141] : memref<125000x8x64xf32, #tpu.memory_space<hbm>> -> memref<1x1x64xf32, #tpu.memory_space<hbm>>
      tpu.enqueue_dma source(%dma_start3A_142 : memref<1x1x64xf32, #tpu.memory_space<hbm>>) target(%dma_start3A_140 : memref<1x1x64xf32, #tpu.memory_space<vmem>>) target_semaphore(%arg13 : memref<!tpu.dma_semaphore, #tpu.memory_space<semaphore_mem>>)
      %slice3A_143 = vector.extract_strided_slice %shift_right_logical3A_53 {offsets = [5], sizes = [1], strides = [1]} : vector<16xi32> to vector<1xi32>
      %squeeze3A_144 = vector.extract %slice3A_143[0] : i32 from vector<1xi32>
      %slice3A_145 = vector.extract_strided_slice %and3A_55 {offsets = [5], sizes = [1], strides = [1]} : vector<16xi32> to vector<1xi32>
      %squeeze3A_146 = vector.extract %slice3A_145[0] : i32 from vector<1xi32>
      %mul3A_147 = arith.constant 16 : i32
      %mul3A_148 = arith.muli %scan3A_46, %mul3A_147 : i32
      %add3A_149 = arith.constant 5 : i32
      %add3A_150 = arith.addi %mul3A_148, %add3A_149 : i32
      %dma_start3A_151 = arith.constant 0 : i32
      %dma_start3A_152 = arith.constant 0 : i32
      %dma_start3A_153 = tpu.memref_slice %arg12[%add3A_150, %dma_start3A_151, %dma_start3A_152] : memref<512x1x64xf32, #tpu.memory_space<vmem>> -> memref<1x1x64xf32, #tpu.memory_space<vmem>>
      %dma_start3A_154 = arith.constant 0 : i32
      %dma_start3A_155 = tpu.memref_slice %arg7[%squeeze3A_144, %squeeze3A_146, %dma_start3A_154] : memref<125000x8x64xf32, #tpu.memory_space<hbm>> -> memref<1x1x64xf32, #tpu.memory_space<hbm>>
      %dma_start3A_156 = arith.constant 0 : i32
      %dma_start3A_157 = arith.constant 0 : i32
      %dma_start3A_158 = tpu.memref_slice %arg12[%add3A_150, %dma_start3A_156, %dma_start3A_157] : memref<512x1x64xf32, #tpu.memory_space<vmem>> -> memref<1x1x64xf32, #tpu.memory_space<vmem>>
      %dma_start3A_159 = arith.constant 0 : i32
      %dma_start3A_160 = tpu.memref_slice %arg7[%squeeze3A_144, %squeeze3A_146, %dma_start3A_159] : memref<125000x8x64xf32, #tpu.memory_space<hbm>> -> memref<1x1x64xf32, #tpu.memory_space<hbm>>
      tpu.enqueue_dma source(%dma_start3A_160 : memref<1x1x64xf32, #tpu.memory_space<hbm>>) target(%dma_start3A_158 : memref<1x1x64xf32, #tpu.memory_space<vmem>>) target_semaphore(%arg13 : memref<!tpu.dma_semaphore, #tpu.memory_space<semaphore_mem>>)
      %slice3A_161 = vector.extract_strided_slice %shift_right_logical3A_53 {offsets = [6], sizes = [1], strides = [1]} : vector<16xi32> to vector<1xi32>
      %squeeze3A_162 = vector.extract %slice3A_161[0] : i32 from vector<1xi32>
      %slice3A_163 = vector.extract_strided_slice %and3A_55 {offsets = [6], sizes = [1], strides = [1]} : vector<16xi32> to vector<1xi32>
      %squeeze3A_164 = vector.extract %slice3A_163[0] : i32 from vector<1xi32>
      %mul3A_165 = arith.constant 16 : i32
      %mul3A_166 = arith.muli %scan3A_46, %mul3A_165 : i32
      %add3A_167 = arith.constant 6 : i32
      %add3A_168 = arith.addi %mul3A_166, %add3A_167 : i32
      %dma_start3A_169 = arith.constant 0 : i32
      %dma_start3A_170 = arith.constant 0 : i32
      %dma_start3A_171 = tpu.memref_slice %arg12[%add3A_168, %dma_start3A_169, %dma_start3A_170] : memref<512x1x64xf32, #tpu.memory_space<vmem>> -> memref<1x1x64xf32, #tpu.memory_space<vmem>>
      %dma_start3A_172 = arith.constant 0 : i32
      %dma_start3A_173 = tpu.memref_slice %arg7[%squeeze3A_162, %squeeze3A_164, %dma_start3A_172] : memref<125000x8x64xf32, #tpu.memory_space<hbm>> -> memref<1x1x64xf32, #tpu.memory_space<hbm>>
      %dma_start3A_174 = arith.constant 0 : i32
      %dma_start3A_175 = arith.constant 0 : i32
      %dma_start3A_176 = tpu.memref_slice %arg12[%add3A_168, %dma_start3A_174, %dma_start3A_175] : memref<512x1x64xf32, #tpu.memory_space<vmem>> -> memref<1x1x64xf32, #tpu.memory_space<vmem>>
      %dma_start3A_177 = arith.constant 0 : i32
      %dma_start3A_178 = tpu.memref_slice %arg7[%squeeze3A_162, %squeeze3A_164, %dma_start3A_177] : memref<125000x8x64xf32, #tpu.memory_space<hbm>> -> memref<1x1x64xf32, #tpu.memory_space<hbm>>
      tpu.enqueue_dma source(%dma_start3A_178 : memref<1x1x64xf32, #tpu.memory_space<hbm>>) target(%dma_start3A_176 : memref<1x1x64xf32, #tpu.memory_space<vmem>>) target_semaphore(%arg13 : memref<!tpu.dma_semaphore, #tpu.memory_space<semaphore_mem>>)
      %slice3A_179 = vector.extract_strided_slice %shift_right_logical3A_53 {offsets = [7], sizes = [1], strides = [1]} : vector<16xi32> to vector<1xi32>
      %squeeze3A_180 = vector.extract %slice3A_179[0] : i32 from vector<1xi32>
      %slice3A_181 = vector.extract_strided_slice %and3A_55 {offsets = [7], sizes = [1], strides = [1]} : vector<16xi32> to vector<1xi32>
      %squeeze3A_182 = vector.extract %slice3A_181[0] : i32 from vector<1xi32>
      %mul3A_183 = arith.constant 16 : i32
      %mul3A_184 = arith.muli %scan3A_46, %mul3A_183 : i32
      %add3A_185 = arith.constant 7 : i32
      %add3A_186 = arith.addi %mul3A_184, %add3A_185 : i32
      %dma_start3A_187 = arith.constant 0 : i32
      %dma_start3A_188 = arith.constant 0 : i32
      %dma_start3A_189 = tpu.memref_slice %arg12[%add3A_186, %dma_start3A_187, %dma_start3A_188] : memref<512x1x64xf32, #tpu.memory_space<vmem>> -> memref<1x1x64xf32, #tpu.memory_space<vmem>>
      %dma_start3A_190 = arith.constant 0 : i32
      %dma_start3A_191 = tpu.memref_slice %arg7[%squeeze3A_180, %squeeze3A_182, %dma_start3A_190] : memref<125000x8x64xf32, #tpu.memory_space<hbm>> -> memref<1x1x64xf32, #tpu.memory_space<hbm>>
      %dma_start3A_192 = arith.constant 0 : i32
      %dma_start3A_193 = arith.constant 0 : i32
      %dma_start3A_194 = tpu.memref_slice %arg12[%add3A_186, %dma_start3A_192, %dma_start3A_193] : memref<512x1x64xf32, #tpu.memory_space<vmem>> -> memref<1x1x64xf32, #tpu.memory_space<vmem>>
      %dma_start3A_195 = arith.constant 0 : i32
      %dma_start3A_196 = tpu.memref_slice %arg7[%squeeze3A_180, %squeeze3A_182, %dma_start3A_195] : memref<125000x8x64xf32, #tpu.memory_space<hbm>> -> memref<1x1x64xf32, #tpu.memory_space<hbm>>
      tpu.enqueue_dma source(%dma_start3A_196 : memref<1x1x64xf32, #tpu.memory_space<hbm>>) target(%dma_start3A_194 : memref<1x1x64xf32, #tpu.memory_space<vmem>>) target_semaphore(%arg13 : memref<!tpu.dma_semaphore, #tpu.memory_space<semaphore_mem>>)
      %slice3A_197 = vector.extract_strided_slice %shift_right_logical3A_53 {offsets = [8], sizes = [1], strides = [1]} : vector<16xi32> to vector<1xi32>
      %squeeze3A_198 = vector.extract %slice3A_197[0] : i32 from vector<1xi32>
      %slice3A_199 = vector.extract_strided_slice %and3A_55 {offsets = [8], sizes = [1], strides = [1]} : vector<16xi32> to vector<1xi32>
      %squeeze3A_200 = vector.extract %slice3A_199[0] : i32 from vector<1xi32>
      %mul3A_201 = arith.constant 16 : i32
      %mul3A_202 = arith.muli %scan3A_46, %mul3A_201 : i32
      %add3A_203 = arith.constant 8 : i32
      %add3A_204 = arith.addi %mul3A_202, %add3A_203 : i32
      %dma_start3A_205 = arith.constant 0 : i32
      %dma_start3A_206 = arith.constant 0 : i32
      %dma_start3A_207 = tpu.memref_slice %arg12[%add3A_204, %dma_start3A_205, %dma_start3A_206] : memref<512x1x64xf32, #tpu.memory_space<vmem>> -> memref<1x1x64xf32, #tpu.memory_space<vmem>>
      %dma_start3A_208 = arith.constant 0 : i32
      %dma_start3A_209 = tpu.memref_slice %arg7[%squeeze3A_198, %squeeze3A_200, %dma_start3A_208] : memref<125000x8x64xf32, #tpu.memory_space<hbm>> -> memref<1x1x64xf32, #tpu.memory_space<hbm>>
      %dma_start3A_210 = arith.constant 0 : i32
      %dma_start3A_211 = arith.constant 0 : i32
      %dma_start3A_212 = tpu.memref_slice %arg12[%add3A_204, %dma_start3A_210, %dma_start3A_211] : memref<512x1x64xf32, #tpu.memory_space<vmem>> -> memref<1x1x64xf32, #tpu.memory_space<vmem>>
      %dma_start3A_213 = arith.constant 0 : i32
      %dma_start3A_214 = tpu.memref_slice %arg7[%squeeze3A_198, %squeeze3A_200, %dma_start3A_213] : memref<125000x8x64xf32, #tpu.memory_space<hbm>> -> memref<1x1x64xf32, #tpu.memory_space<hbm>>
      tpu.enqueue_dma source(%dma_start3A_214 : memref<1x1x64xf32, #tpu.memory_space<hbm>>) target(%dma_start3A_212 : memref<1x1x64xf32, #tpu.memory_space<vmem>>) target_semaphore(%arg13 : memref<!tpu.dma_semaphore, #tpu.memory_space<semaphore_mem>>)
      %slice3A_215 = vector.extract_strided_slice %shift_right_logical3A_53 {offsets = [9], sizes = [1], strides = [1]} : vector<16xi32> to vector<1xi32>
      %squeeze3A_216 = vector.extract %slice3A_215[0] : i32 from vector<1xi32>
      %slice3A_217 = vector.extract_strided_slice %and3A_55 {offsets = [9], sizes = [1], strides = [1]} : vector<16xi32> to vector<1xi32>
      %squeeze3A_218 = vector.extract %slice3A_217[0] : i32 from vector<1xi32>
      %mul3A_219 = arith.constant 16 : i32
      %mul3A_220 = arith.muli %scan3A_46, %mul3A_219 : i32
      %add3A_221 = arith.constant 9 : i32
      %add3A_222 = arith.addi %mul3A_220, %add3A_221 : i32
      %dma_start3A_223 = arith.constant 0 : i32
      %dma_start3A_224 = arith.constant 0 : i32
      %dma_start3A_225 = tpu.memref_slice %arg12[%add3A_222, %dma_start3A_223, %dma_start3A_224] : memref<512x1x64xf32, #tpu.memory_space<vmem>> -> memref<1x1x64xf32, #tpu.memory_space<vmem>>
      %dma_start3A_226 = arith.constant 0 : i32
      %dma_start3A_227 = tpu.memref_slice %arg7[%squeeze3A_216, %squeeze3A_218, %dma_start3A_226] : memref<125000x8x64xf32, #tpu.memory_space<hbm>> -> memref<1x1x64xf32, #tpu.memory_space<hbm>>
      %dma_start3A_228 = arith.constant 0 : i32
      %dma_start3A_229 = arith.constant 0 : i32
      %dma_start3A_230 = tpu.memref_slice %arg12[%add3A_222, %dma_start3A_228, %dma_start3A_229] : memref<512x1x64xf32, #tpu.memory_space<vmem>> -> memref<1x1x64xf32, #tpu.memory_space<vmem>>
      %dma_start3A_231 = arith.constant 0 : i32
      %dma_start3A_232 = tpu.memref_slice %arg7[%squeeze3A_216, %squeeze3A_218, %dma_start3A_231] : memref<125000x8x64xf32, #tpu.memory_space<hbm>> -> memref<1x1x64xf32, #tpu.memory_space<hbm>>
      tpu.enqueue_dma source(%dma_start3A_232 : memref<1x1x64xf32, #tpu.memory_space<hbm>>) target(%dma_start3A_230 : memref<1x1x64xf32, #tpu.memory_space<vmem>>) target_semaphore(%arg13 : memref<!tpu.dma_semaphore, #tpu.memory_space<semaphore_mem>>)
      %slice3A_233 = vector.extract_strided_slice %shift_right_logical3A_53 {offsets = [10], sizes = [1], strides = [1]} : vector<16xi32> to vector<1xi32>
      %squeeze3A_234 = vector.extract %slice3A_233[0] : i32 from vector<1xi32>
      %slice3A_235 = vector.extract_strided_slice %and3A_55 {offsets = [10], sizes = [1], strides = [1]} : vector<16xi32> to vector<1xi32>
      %squeeze3A_236 = vector.extract %slice3A_235[0] : i32 from vector<1xi32>
      %mul3A_237 = arith.constant 16 : i32
      %mul3A_238 = arith.muli %scan3A_46, %mul3A_237 : i32
      %add3A_239 = arith.constant 10 : i32
      %add3A_240 = arith.addi %mul3A_238, %add3A_239 : i32
      %dma_start3A_241 = arith.constant 0 : i32
      %dma_start3A_242 = arith.constant 0 : i32
      %dma_start3A_243 = tpu.memref_slice %arg12[%add3A_240, %dma_start3A_241, %dma_start3A_242] : memref<512x1x64xf32, #tpu.memory_space<vmem>> -> memref<1x1x64xf32, #tpu.memory_space<vmem>>
      %dma_start3A_244 = arith.constant 0 : i32
      %dma_start3A_245 = tpu.memref_slice %arg7[%squeeze3A_234, %squeeze3A_236, %dma_start3A_244] : memref<125000x8x64xf32, #tpu.memory_space<hbm>> -> memref<1x1x64xf32, #tpu.memory_space<hbm>>
      %dma_start3A_246 = arith.constant 0 : i32
      %dma_start3A_247 = arith.constant 0 : i32
      %dma_start3A_248 = tpu.memref_slice %arg12[%add3A_240, %dma_start3A_246, %dma_start3A_247] : memref<512x1x64xf32, #tpu.memory_space<vmem>> -> memref<1x1x64xf32, #tpu.memory_space<vmem>>
      %dma_start3A_249 = arith.constant 0 : i32
      %dma_start3A_250 = tpu.memref_slice %arg7[%squeeze3A_234, %squeeze3A_236, %dma_start3A_249] : memref<125000x8x64xf32, #tpu.memory_space<hbm>> -> memref<1x1x64xf32, #tpu.memory_space<hbm>>
      tpu.enqueue_dma source(%dma_start3A_250 : memref<1x1x64xf32, #tpu.memory_space<hbm>>) target(%dma_start3A_248 : memref<1x1x64xf32, #tpu.memory_space<vmem>>) target_semaphore(%arg13 : memref<!tpu.dma_semaphore, #tpu.memory_space<semaphore_mem>>)
      %slice3A_251 = vector.extract_strided_slice %shift_right_logical3A_53 {offsets = [11], sizes = [1], strides = [1]} : vector<16xi32> to vector<1xi32>
      %squeeze3A_252 = vector.extract %slice3A_251[0] : i32 from vector<1xi32>
      %slice3A_253 = vector.extract_strided_slice %and3A_55 {offsets = [11], sizes = [1], strides = [1]} : vector<16xi32> to vector<1xi32>
      %squeeze3A_254 = vector.extract %slice3A_253[0] : i32 from vector<1xi32>
      %mul3A_255 = arith.constant 16 : i32
      %mul3A_256 = arith.muli %scan3A_46, %mul3A_255 : i32
      %add3A_257 = arith.constant 11 : i32
      %add3A_258 = arith.addi %mul3A_256, %add3A_257 : i32
      %dma_start3A_259 = arith.constant 0 : i32
      %dma_start3A_260 = arith.constant 0 : i32
      %dma_start3A_261 = tpu.memref_slice %arg12[%add3A_258, %dma_start3A_259, %dma_start3A_260] : memref<512x1x64xf32, #tpu.memory_space<vmem>> -> memref<1x1x64xf32, #tpu.memory_space<vmem>>
      %dma_start3A_262 = arith.constant 0 : i32
      %dma_start3A_263 = tpu.memref_slice %arg7[%squeeze3A_252, %squeeze3A_254, %dma_start3A_262] : memref<125000x8x64xf32, #tpu.memory_space<hbm>> -> memref<1x1x64xf32, #tpu.memory_space<hbm>>
      %dma_start3A_264 = arith.constant 0 : i32
      %dma_start3A_265 = arith.constant 0 : i32
      %dma_start3A_266 = tpu.memref_slice %arg12[%add3A_258, %dma_start3A_264, %dma_start3A_265] : memref<512x1x64xf32, #tpu.memory_space<vmem>> -> memref<1x1x64xf32, #tpu.memory_space<vmem>>
      %dma_start3A_267 = arith.constant 0 : i32
      %dma_start3A_268 = tpu.memref_slice %arg7[%squeeze3A_252, %squeeze3A_254, %dma_start3A_267] : memref<125000x8x64xf32, #tpu.memory_space<hbm>> -> memref<1x1x64xf32, #tpu.memory_space<hbm>>
      tpu.enqueue_dma source(%dma_start3A_268 : memref<1x1x64xf32, #tpu.memory_space<hbm>>) target(%dma_start3A_266 : memref<1x1x64xf32, #tpu.memory_space<vmem>>) target_semaphore(%arg13 : memref<!tpu.dma_semaphore, #tpu.memory_space<semaphore_mem>>)
      %slice3A_269 = vector.extract_strided_slice %shift_right_logical3A_53 {offsets = [12], sizes = [1], strides = [1]} : vector<16xi32> to vector<1xi32>
      %squeeze3A_270 = vector.extract %slice3A_269[0] : i32 from vector<1xi32>
      %slice3A_271 = vector.extract_strided_slice %and3A_55 {offsets = [12], sizes = [1], strides = [1]} : vector<16xi32> to vector<1xi32>
      %squeeze3A_272 = vector.extract %slice3A_271[0] : i32 from vector<1xi32>
      %mul3A_273 = arith.constant 16 : i32
      %mul3A_274 = arith.muli %scan3A_46, %mul3A_273 : i32
      %add3A_275 = arith.constant 12 : i32
      %add3A_276 = arith.addi %mul3A_274, %add3A_275 : i32
      %dma_start3A_277 = arith.constant 0 : i32
      %dma_start3A_278 = arith.constant 0 : i32
      %dma_start3A_279 = tpu.memref_slice %arg12[%add3A_276, %dma_start3A_277, %dma_start3A_278] : memref<512x1x64xf32, #tpu.memory_space<vmem>> -> memref<1x1x64xf32, #tpu.memory_space<vmem>>
      %dma_start3A_280 = arith.constant 0 : i32
      %dma_start3A_281 = tpu.memref_slice %arg7[%squeeze3A_270, %squeeze3A_272, %dma_start3A_280] : memref<125000x8x64xf32, #tpu.memory_space<hbm>> -> memref<1x1x64xf32, #tpu.memory_space<hbm>>
      %dma_start3A_282 = arith.constant 0 : i32
      %dma_start3A_283 = arith.constant 0 : i32
      %dma_start3A_284 = tpu.memref_slice %arg12[%add3A_276, %dma_start3A_282, %dma_start3A_283] : memref<512x1x64xf32, #tpu.memory_space<vmem>> -> memref<1x1x64xf32, #tpu.memory_space<vmem>>
      %dma_start3A_285 = arith.constant 0 : i32
      %dma_start3A_286 = tpu.memref_slice %arg7[%squeeze3A_270, %squeeze3A_272, %dma_start3A_285] : memref<125000x8x64xf32, #tpu.memory_space<hbm>> -> memref<1x1x64xf32, #tpu.memory_space<hbm>>
      tpu.enqueue_dma source(%dma_start3A_286 : memref<1x1x64xf32, #tpu.memory_space<hbm>>) target(%dma_start3A_284 : memref<1x1x64xf32, #tpu.memory_space<vmem>>) target_semaphore(%arg13 : memref<!tpu.dma_semaphore, #tpu.memory_space<semaphore_mem>>)
      %slice3A_287 = vector.extract_strided_slice %shift_right_logical3A_53 {offsets = [13], sizes = [1], strides = [1]} : vector<16xi32> to vector<1xi32>
      %squeeze3A_288 = vector.extract %slice3A_287[0] : i32 from vector<1xi32>
      %slice3A_289 = vector.extract_strided_slice %and3A_55 {offsets = [13], sizes = [1], strides = [1]} : vector<16xi32> to vector<1xi32>
      %squeeze3A_290 = vector.extract %slice3A_289[0] : i32 from vector<1xi32>
      %mul3A_291 = arith.constant 16 : i32
      %mul3A_292 = arith.muli %scan3A_46, %mul3A_291 : i32
      %add3A_293 = arith.constant 13 : i32
      %add3A_294 = arith.addi %mul3A_292, %add3A_293 : i32
      %dma_start3A_295 = arith.constant 0 : i32
      %dma_start3A_296 = arith.constant 0 : i32
      %dma_start3A_297 = tpu.memref_slice %arg12[%add3A_294, %dma_start3A_295, %dma_start3A_296] : memref<512x1x64xf32, #tpu.memory_space<vmem>> -> memref<1x1x64xf32, #tpu.memory_space<vmem>>
      %dma_start3A_298 = arith.constant 0 : i32
      %dma_start3A_299 = tpu.memref_slice %arg7[%squeeze3A_288, %squeeze3A_290, %dma_start3A_298] : memref<125000x8x64xf32, #tpu.memory_space<hbm>> -> memref<1x1x64xf32, #tpu.memory_space<hbm>>
      %dma_start3A_300 = arith.constant 0 : i32
      %dma_start3A_301 = arith.constant 0 : i32
      %dma_start3A_302 = tpu.memref_slice %arg12[%add3A_294, %dma_start3A_300, %dma_start3A_301] : memref<512x1x64xf32, #tpu.memory_space<vmem>> -> memref<1x1x64xf32, #tpu.memory_space<vmem>>
      %dma_start3A_303 = arith.constant 0 : i32
      %dma_start3A_304 = tpu.memref_slice %arg7[%squeeze3A_288, %squeeze3A_290, %dma_start3A_303] : memref<125000x8x64xf32, #tpu.memory_space<hbm>> -> memref<1x1x64xf32, #tpu.memory_space<hbm>>
      tpu.enqueue_dma source(%dma_start3A_304 : memref<1x1x64xf32, #tpu.memory_space<hbm>>) target(%dma_start3A_302 : memref<1x1x64xf32, #tpu.memory_space<vmem>>) target_semaphore(%arg13 : memref<!tpu.dma_semaphore, #tpu.memory_space<semaphore_mem>>)
      %slice3A_305 = vector.extract_strided_slice %shift_right_logical3A_53 {offsets = [14], sizes = [1], strides = [1]} : vector<16xi32> to vector<1xi32>
      %squeeze3A_306 = vector.extract %slice3A_305[0] : i32 from vector<1xi32>
      %slice3A_307 = vector.extract_strided_slice %and3A_55 {offsets = [14], sizes = [1], strides = [1]} : vector<16xi32> to vector<1xi32>
      %squeeze3A_308 = vector.extract %slice3A_307[0] : i32 from vector<1xi32>
      %mul3A_309 = arith.constant 16 : i32
      %mul3A_310 = arith.muli %scan3A_46, %mul3A_309 : i32
      %add3A_311 = arith.constant 14 : i32
      %add3A_312 = arith.addi %mul3A_310, %add3A_311 : i32
      %dma_start3A_313 = arith.constant 0 : i32
      %dma_start3A_314 = arith.constant 0 : i32
      %dma_start3A_315 = tpu.memref_slice %arg12[%add3A_312, %dma_start3A_313, %dma_start3A_314] : memref<512x1x64xf32, #tpu.memory_space<vmem>> -> memref<1x1x64xf32, #tpu.memory_space<vmem>>
      %dma_start3A_316 = arith.constant 0 : i32
      %dma_start3A_317 = tpu.memref_slice %arg7[%squeeze3A_306, %squeeze3A_308, %dma_start3A_316] : memref<125000x8x64xf32, #tpu.memory_space<hbm>> -> memref<1x1x64xf32, #tpu.memory_space<hbm>>
      %dma_start3A_318 = arith.constant 0 : i32
      %dma_start3A_319 = arith.constant 0 : i32
      %dma_start3A_320 = tpu.memref_slice %arg12[%add3A_312, %dma_start3A_318, %dma_start3A_319] : memref<512x1x64xf32, #tpu.memory_space<vmem>> -> memref<1x1x64xf32, #tpu.memory_space<vmem>>
      %dma_start3A_321 = arith.constant 0 : i32
      %dma_start3A_322 = tpu.memref_slice %arg7[%squeeze3A_306, %squeeze3A_308, %dma_start3A_321] : memref<125000x8x64xf32, #tpu.memory_space<hbm>> -> memref<1x1x64xf32, #tpu.memory_space<hbm>>
      tpu.enqueue_dma source(%dma_start3A_322 : memref<1x1x64xf32, #tpu.memory_space<hbm>>) target(%dma_start3A_320 : memref<1x1x64xf32, #tpu.memory_space<vmem>>) target_semaphore(%arg13 : memref<!tpu.dma_semaphore, #tpu.memory_space<semaphore_mem>>)
      %slice3A_323 = vector.extract_strided_slice %shift_right_logical3A_53 {offsets = [15], sizes = [1], strides = [1]} : vector<16xi32> to vector<1xi32>
      %squeeze3A_324 = vector.extract %slice3A_323[0] : i32 from vector<1xi32>
      %slice3A_325 = vector.extract_strided_slice %and3A_55 {offsets = [15], sizes = [1], strides = [1]} : vector<16xi32> to vector<1xi32>
      %squeeze3A_326 = vector.extract %slice3A_325[0] : i32 from vector<1xi32>
      %mul3A_327 = arith.constant 16 : i32
      %mul3A_328 = arith.muli %scan3A_46, %mul3A_327 : i32
      %add3A_329 = arith.constant 15 : i32
      %add3A_330 = arith.addi %mul3A_328, %add3A_329 : i32
      %dma_start3A_331 = arith.constant 0 : i32
      %dma_start3A_332 = arith.constant 0 : i32
      %dma_start3A_333 = tpu.memref_slice %arg12[%add3A_330, %dma_start3A_331, %dma_start3A_332] : memref<512x1x64xf32, #tpu.memory_space<vmem>> -> memref<1x1x64xf32, #tpu.memory_space<vmem>>
      %dma_start3A_334 = arith.constant 0 : i32
      %dma_start3A_335 = tpu.memref_slice %arg7[%squeeze3A_324, %squeeze3A_326, %dma_start3A_334] : memref<125000x8x64xf32, #tpu.memory_space<hbm>> -> memref<1x1x64xf32, #tpu.memory_space<hbm>>
      %dma_start3A_336 = arith.constant 0 : i32
      %dma_start3A_337 = arith.constant 0 : i32
      %dma_start3A_338 = tpu.memref_slice %arg12[%add3A_330, %dma_start3A_336, %dma_start3A_337] : memref<512x1x64xf32, #tpu.memory_space<vmem>> -> memref<1x1x64xf32, #tpu.memory_space<vmem>>
      %dma_start3A_339 = arith.constant 0 : i32
      %dma_start3A_340 = tpu.memref_slice %arg7[%squeeze3A_324, %squeeze3A_326, %dma_start3A_339] : memref<125000x8x64xf32, #tpu.memory_space<hbm>> -> memref<1x1x64xf32, #tpu.memory_space<hbm>>
      tpu.enqueue_dma source(%dma_start3A_340 : memref<1x1x64xf32, #tpu.memory_space<hbm>>) target(%dma_start3A_338 : memref<1x1x64xf32, #tpu.memory_space<vmem>>) target_semaphore(%arg13 : memref<!tpu.dma_semaphore, #tpu.memory_space<semaphore_mem>>)
      %scan3A_341 = arith.constant 0 : i32
      scf.yield %scan3A_341 : i32
    }
    %scan3A_37 = arith.constant 32 : i32
    %dma_wait3A_38 = arith.constant 0 : i32
    %dma_wait3A_39 = arith.constant 0 : i32
    %dma_wait3A_40 = arith.constant 0 : i32
    %dma_wait3A_41 = tpu.memref_slice %arg7[%dma_wait3A_38, %dma_wait3A_39, %dma_wait3A_40] : memref<125000x8x64xf32, #tpu.memory_space<hbm>> -> memref<512x1x64xf32, #tpu.memory_space<hbm>>
    %dma_wait3A_42 = arith.constant 0 : i32
    %dma_wait3A_43 = arith.constant 0 : i32
    %dma_wait3A_44 = arith.constant 0 : i32
    %dma_wait3A_45 = tpu.memref_slice %arg7[%dma_wait3A_42, %dma_wait3A_43, %dma_wait3A_44] : memref<125000x8x64xf32, #tpu.memory_space<hbm>> -> memref<512x1x64xf32, #tpu.memory_space<hbm>>
    tpu.wait_dma2 semaphore(%arg13 : memref<!tpu.dma_semaphore, #tpu.memory_space<semaphore_mem>>) src(%dma_wait3A_45 : memref<512x1x64xf32, #tpu.memory_space<hbm>>) dst(%arg12 : memref<512x1x64xf32, #tpu.memory_space<vmem>>)
    "tpu.region"() ({
      %run_scoped3A = tpu.sem_alloc : memref<!tpu.dma_semaphore, #tpu.memory_space<semaphore_mem>>
      %dma_start3A = arith.constant 0 : i32
      %dma_start3A_46 = arith.constant 0 : i32
      %dma_start3A_47 = tpu.memref_slice %arg10[%mul3A_2, %dma_start3A, %dma_start3A_46] : memref<16384x1x64xf32, #tpu.memory_space<hbm>> -> memref<512x1x64xf32, #tpu.memory_space<hbm>>
      %dma_start3A_48 = arith.constant 0 : i32
      %dma_start3A_49 = arith.constant 0 : i32
      %dma_start3A_50 = tpu.memref_slice %arg10[%mul3A_2, %dma_start3A_48, %dma_start3A_49] : memref<16384x1x64xf32, #tpu.memory_space<hbm>> -> memref<512x1x64xf32, #tpu.memory_space<hbm>>
      tpu.enqueue_dma source(%arg12 : memref<512x1x64xf32, #tpu.memory_space<vmem>>) target(%dma_start3A_50 : memref<512x1x64xf32, #tpu.memory_space<hbm>>) target_semaphore(%run_scoped3A : memref<!tpu.dma_semaphore, #tpu.memory_space<semaphore_mem>>)
      %dma_wait3A_51 = arith.constant 0 : i32
      %dma_wait3A_52 = arith.constant 0 : i32
      %dma_wait3A_53 = tpu.memref_slice %arg10[%mul3A_2, %dma_wait3A_51, %dma_wait3A_52] : memref<16384x1x64xf32, #tpu.memory_space<hbm>> -> memref<512x1x64xf32, #tpu.memory_space<hbm>>
      %dma_wait3A_54 = arith.constant 0 : i32
      %dma_wait3A_55 = arith.constant 0 : i32
      %dma_wait3A_56 = tpu.memref_slice %arg10[%mul3A_2, %dma_wait3A_54, %dma_wait3A_55] : memref<16384x1x64xf32, #tpu.memory_space<hbm>> -> memref<512x1x64xf32, #tpu.memory_space<hbm>>
      tpu.wait_dma2 semaphore(%run_scoped3A : memref<!tpu.dma_semaphore, #tpu.memory_space<semaphore_mem>>) src(%arg12 : memref<512x1x64xf32, #tpu.memory_space<vmem>>) dst(%dma_wait3A_56 : memref<512x1x64xf32, #tpu.memory_space<hbm>>)
      tpu.yield
    }) : () -> ()
    return
  }
}

module attributes {stable_mosaic.version = 14 : i64} {
  func.func @_mlp_body(%arg0: i32, %arg1: memref<4096x64xf32, #tpu.memory_space<vmem>>, %arg2: memref<4096x64xf32, #tpu.memory_space<vmem>>, %arg3: memref<4096x64xf32, #tpu.memory_space<vmem>>, %arg4: memref<192x192xf32, #tpu.memory_space<vmem>>, %arg5: memref<1x192xf32, #tpu.memory_space<vmem>>, %arg6: memref<192x1xf32, #tpu.memory_space<vmem>>, %arg7: memref<1x1xf32, #tpu.memory_space<vmem>>, %arg8: memref<4096x1xf32, #tpu.memory_space<vmem>>, %arg9: memref<1x1xf32, #tpu.memory_space<vmem>>, %arg10: memref<3xf32, #tpu.memory_space<smem>>) attributes {dimension_semantics = [#tpu.dimension_semantics<arbitrary>], iteration_bounds = array<i64: 4>, scalar_prefetch = 0 : i64, scratch_operands = 1 : i64, tpu.core_type = #tpu.core_type<tc>, window_params = [{transform_indices = @transform_0, window_bounds = array<i64: 4096, 64>}, {transform_indices = @transform_1, window_bounds = array<i64: 4096, 64>}, {transform_indices = @transform_2, window_bounds = array<i64: 4096, 64>}, {pipeline_mode = #tpu.pipeline_mode<synchronous>, transform_indices = @transform_3, window_bounds = array<i64: 192, 192>}, {pipeline_mode = #tpu.pipeline_mode<synchronous>, transform_indices = @transform_4, window_bounds = array<i64: 1, 192>}, {pipeline_mode = #tpu.pipeline_mode<synchronous>, transform_indices = @transform_5, window_bounds = array<i64: 192, 1>}, {pipeline_mode = #tpu.pipeline_mode<synchronous>, transform_indices = @transform_6, window_bounds = array<i64: 1, 1>}, {transform_indices = @transform_7, window_bounds = array<i64: 4096, 1>}, {pipeline_mode = #tpu.pipeline_mode<synchronous>, transform_indices = @transform_8, window_bounds = array<i64: 1, 1>}]} {
    %get3A = arith.constant 0 : index
    %get3A_0 = arith.constant 0 : index
    %get3A_1 = vector.load %arg4[%get3A, %get3A_0] : memref<192x192xf32, #tpu.memory_space<vmem>>, vector<192x192xf32>
    %mul3A = arith.mulf %get3A_1, %get3A_1 : vector<192x192xf32>
    %reduce_sum3A = arith.constant dense<0.000000e+00> : vector<192xf32>
    %reduce_sum3A_2 = vector.multi_reduction <add>, %mul3A, %reduce_sum3A [0] : vector<192x192xf32> to vector<192xf32>
    %broadcast_in_dim3A = vector.shape_cast %reduce_sum3A_2 : vector<192xf32> to vector<1x192xf32>
    %sqrt3A = math.sqrt %broadcast_in_dim3A : vector<1x192xf32>
    %max3A = arith.constant 1.000000e+00 : f32
    %max3A_3 = vector.broadcast %max3A : f32 to vector<1x192xf32>
    %max3A_4 = arith.maximumf %sqrt3A, %max3A_3 : vector<1x192xf32>
    %div3A = vector.broadcast %max3A_4 : vector<1x192xf32> to vector<192x192xf32>
    %div3A_5 = arith.divf %get3A_1, %div3A : vector<192x192xf32>
    %get3A_6 = arith.constant 0 : index
    %get3A_7 = arith.constant 0 : index
    %get3A_8 = vector.load %arg6[%get3A_6, %get3A_7] : memref<192x1xf32, #tpu.memory_space<vmem>>, vector<192x1xf32>
    %mul3A_9 = arith.mulf %get3A_8, %get3A_8 : vector<192x1xf32>
    %reduce_sum3A_10 = vector.shape_cast %mul3A_9 : vector<192x1xf32> to vector<1x192x1xf32>
    %reduce_sum3A_11 = arith.constant dense<0.000000e+00> : vector<1xf32>
    %reduce_sum3A_12 = vector.multi_reduction <add>, %reduce_sum3A_10, %reduce_sum3A_11 [1, 2] : vector<1x192x1xf32> to vector<1xf32>
    %reduce_sum3A_13 = vector.shape_cast %reduce_sum3A_12 : vector<1xf32> to vector<1x1x1xf32>
    %reduce_sum3A_14 = vector.extract %reduce_sum3A_13[0, 0, 0] : f32 from vector<1x1x1xf32>
    %sqrt3A_15 = math.sqrt %reduce_sum3A_14 : f32
    %max3A_16 = arith.constant 1.000000e+00 : f32
    %max3A_17 = arith.maximumf %sqrt3A_15, %max3A_16 : f32
    %div3A_18 = vector.broadcast %max3A_17 : f32 to vector<192x1xf32>
    %div3A_19 = arith.divf %get3A_8, %div3A_18 : vector<192x1xf32>
    %get3A_20 = arith.constant 0 : index
    %get3A_21 = arith.constant 0 : index
    %get3A_22 = vector.load %arg1[%get3A_20, %get3A_21] : memref<4096x64xf32, #tpu.memory_space<vmem>>, vector<4096x64xf32>
    %get3A_23 = arith.constant 0 : index
    %get3A_24 = arith.constant 0 : index
    %get3A_25 = vector.load %arg2[%get3A_23, %get3A_24] : memref<4096x64xf32, #tpu.memory_space<vmem>>, vector<4096x64xf32>
    %get3A_26 = arith.constant 0 : index
    %get3A_27 = arith.constant 0 : index
    %get3A_28 = vector.load %arg3[%get3A_26, %get3A_27] : memref<4096x64xf32, #tpu.memory_space<vmem>>, vector<4096x64xf32>
    %concatenate3A = tpu.concatenate %get3A_22, %get3A_25, %get3A_28 in 1 : vector<4096x64xf32>, vector<4096x64xf32>, vector<4096x64xf32> -> vector<4096x192xf32>
    %dot_general3A = arith.constant dense<0.000000e+00> : vector<4096x192xf32>
    %dot_general3A_29 = tpu.matmul %concatenate3A, %div3A_5, %dot_general3A {dimension_numbers = #tpu.dot_dimension_numbers<[1], [0], [0], [1], [0, 0, 1, 1], [], []>, transpose_lhs_hint = false} : vector<4096x192xf32>, vector<192x192xf32>, vector<4096x192xf32> -> vector<4096x192xf32>
    %get3A_30 = arith.constant 0 : index
    %get3A_31 = arith.constant 0 : index
    %get3A_32 = vector.load %arg5[%get3A_30, %get3A_31] : memref<1x192xf32, #tpu.memory_space<vmem>>, vector<1x192xf32>
    %add3A = vector.broadcast %get3A_32 : vector<1x192xf32> to vector<4096x192xf32>
    %add3A_33 = arith.addf %dot_general3A_29, %add3A : vector<4096x192xf32>
    %logistic3A = arith.negf %add3A_33 : vector<4096x192xf32>
    %logistic3A_34 = math.exp %logistic3A : vector<4096x192xf32>
    %logistic3A_35 = arith.constant 1.000000e+00 : f32
    %logistic3A_36 = vector.broadcast %logistic3A_35 : f32 to vector<4096x192xf32>
    %logistic3A_37 = arith.addf %logistic3A_36, %logistic3A_34 : vector<4096x192xf32>
    %logistic3A_38 = arith.divf %logistic3A_36, %logistic3A_37 : vector<4096x192xf32>
    %dot_general3A_39 = arith.constant dense<0.000000e+00> : vector<4096x1xf32>
    %dot_general3A_40 = tpu.matmul %logistic3A_38, %div3A_19, %dot_general3A_39 {dimension_numbers = #tpu.dot_dimension_numbers<[1], [0], [0], [1], [0, 0, 1, 1], [], []>, transpose_lhs_hint = false} : vector<4096x192xf32>, vector<192x1xf32>, vector<4096x1xf32> -> vector<4096x1xf32>
    %get3A_41 = arith.constant 0 : index
    %get3A_42 = arith.constant 0 : index
    %get3A_43 = vector.load %arg7[%get3A_41, %get3A_42] : memref<1x1xf32, #tpu.memory_space<vmem>>, vector<1x1xf32>
    %add3A_44 = vector.broadcast %get3A_43 : vector<1x1xf32> to vector<4096x1xf32>
    %add3A_45 = arith.addf %dot_general3A_40, %add3A_44 : vector<4096x1xf32>
    %swap3A = arith.constant 0 : index
    %swap3A_46 = arith.constant 0 : index
    %swap3A_47 = vector.load %arg8[%swap3A, %swap3A_46] : memref<4096x1xf32, #tpu.memory_space<vmem>>, vector<4096x1xf32>
    tpu.vector_store %arg8[%swap3A, %swap3A_46], %add3A_45 {strides = array<i32>} : memref<4096x1xf32, #tpu.memory_space<vmem>>, vector<4096x1xf32>,
    %mul3A_48 = arith.mulf %get3A_22, %get3A_22 : vector<4096x64xf32>
    %reduce_sum3A_49 = vector.shape_cast %mul3A_48 : vector<4096x64xf32> to vector<1x4096x64xf32>
    %reduce_sum3A_50 = arith.constant dense<0.000000e+00> : vector<1xf32>
    %reduce_sum3A_51 = vector.multi_reduction <add>, %reduce_sum3A_49, %reduce_sum3A_50 [1, 2] : vector<1x4096x64xf32> to vector<1xf32>
    %reduce_sum3A_52 = vector.shape_cast %reduce_sum3A_51 : vector<1xf32> to vector<1x1x1xf32>
    %reduce_sum3A_53 = vector.extract %reduce_sum3A_52[0, 0, 0] : f32 from vector<1x1x1xf32>
    %mul3A_54 = arith.mulf %get3A_25, %get3A_25 : vector<4096x64xf32>
    %reduce_sum3A_55 = vector.shape_cast %mul3A_54 : vector<4096x64xf32> to vector<1x4096x64xf32>
    %reduce_sum3A_56 = arith.constant dense<0.000000e+00> : vector<1xf32>
    %reduce_sum3A_57 = vector.multi_reduction <add>, %reduce_sum3A_55, %reduce_sum3A_56 [1, 2] : vector<1x4096x64xf32> to vector<1xf32>
    %reduce_sum3A_58 = vector.shape_cast %reduce_sum3A_57 : vector<1xf32> to vector<1x1x1xf32>
    %reduce_sum3A_59 = vector.extract %reduce_sum3A_58[0, 0, 0] : f32 from vector<1x1x1xf32>
    %mul3A_60 = arith.mulf %get3A_28, %get3A_28 : vector<4096x64xf32>
    %reduce_sum3A_61 = vector.shape_cast %mul3A_60 : vector<4096x64xf32> to vector<1x4096x64xf32>
    %reduce_sum3A_62 = arith.constant dense<0.000000e+00> : vector<1xf32>
    %reduce_sum3A_63 = vector.multi_reduction <add>, %reduce_sum3A_61, %reduce_sum3A_62 [1, 2] : vector<1x4096x64xf32> to vector<1xf32>
    %reduce_sum3A_64 = vector.shape_cast %reduce_sum3A_63 : vector<1xf32> to vector<1x1x1xf32>
    %reduce_sum3A_65 = vector.extract %reduce_sum3A_64[0, 0, 0] : f32 from vector<1x1x1xf32>
    %eq3A = arith.constant 0 : i32
    %eq3A_66 = arith.cmpi eq, %arg0, %eq3A : i32
    %convert_element_type3A = arith.extui %eq3A_66 : i1 to i32
    %cond3A = arith.constant 0 : i32
    %cond3A_67 = arith.cmpi ne, %convert_element_type3A, %cond3A : i32
    scf.if %cond3A_67 {
      %swap3A_77 = arith.constant 0 : index
      %swap3A_78 = memref.load %arg10[%swap3A_77] : memref<3xf32, #tpu.memory_space<smem>>
      memref.store %reduce_sum3A_53, %arg10[%swap3A_77] : memref<3xf32, #tpu.memory_space<smem>>
      %swap3A_79 = arith.constant 1 : index
      %swap3A_80 = memref.load %arg10[%swap3A_79] : memref<3xf32, #tpu.memory_space<smem>>
      memref.store %reduce_sum3A_59, %arg10[%swap3A_79] : memref<3xf32, #tpu.memory_space<smem>>
      %swap3A_81 = arith.constant 2 : index
      %swap3A_82 = memref.load %arg10[%swap3A_81] : memref<3xf32, #tpu.memory_space<smem>>
      memref.store %reduce_sum3A_65, %arg10[%swap3A_81] : memref<3xf32, #tpu.memory_space<smem>>
    } else {
    }
    %gt3A = arith.constant 0 : i32
    %gt3A_68 = arith.cmpi sgt, %arg0, %gt3A : i32
    %convert_element_type3A_69 = arith.extui %gt3A_68 : i1 to i32
    %cond3A_70 = arith.constant 0 : i32
    %cond3A_71 = arith.cmpi ne, %convert_element_type3A_69, %cond3A_70 : i32
    scf.if %cond3A_71 {
      %get3A_77 = arith.constant 0 : index
      %get3A_78 = memref.load %arg10[%get3A_77] : memref<3xf32, #tpu.memory_space<smem>>
      %add3A_79 = arith.addf %get3A_78, %reduce_sum3A_53 : f32
      %swap3A_80 = arith.constant 0 : index
      %swap3A_81 = memref.load %arg10[%swap3A_80] : memref<3xf32, #tpu.memory_space<smem>>
      memref.store %add3A_79, %arg10[%swap3A_80] : memref<3xf32, #tpu.memory_space<smem>>
      %get3A_82 = arith.constant 1 : index
      %get3A_83 = memref.load %arg10[%get3A_82] : memref<3xf32, #tpu.memory_space<smem>>
      %add3A_84 = arith.addf %get3A_83, %reduce_sum3A_59 : f32
      %swap3A_85 = arith.constant 1 : index
      %swap3A_86 = memref.load %arg10[%swap3A_85] : memref<3xf32, #tpu.memory_space<smem>>
      memref.store %add3A_84, %arg10[%swap3A_85] : memref<3xf32, #tpu.memory_space<smem>>
      %get3A_87 = arith.constant 2 : index
      %get3A_88 = memref.load %arg10[%get3A_87] : memref<3xf32, #tpu.memory_space<smem>>
      %add3A_89 = arith.addf %get3A_88, %reduce_sum3A_65 : f32
      %swap3A_90 = arith.constant 2 : index
      %swap3A_91 = memref.load %arg10[%swap3A_90] : memref<3xf32, #tpu.memory_space<smem>>
      memref.store %add3A_89, %arg10[%swap3A_90] : memref<3xf32, #tpu.memory_space<smem>>
    } else {
    }
    %eq3A_72 = arith.constant 3 : i32
    %eq3A_73 = arith.cmpi eq, %arg0, %eq3A_72 : i32
    %convert_element_type3A_74 = arith.extui %eq3A_73 : i1 to i32
    %cond3A_75 = arith.constant 0 : i32
    %cond3A_76 = arith.cmpi ne, %convert_element_type3A_74, %cond3A_75 : i32
    scf.if %cond3A_76 {
      %get3A_77 = arith.constant 0 : index
      %get3A_78 = memref.load %arg10[%get3A_77] : memref<3xf32, #tpu.memory_space<smem>>
      %sqrt3A_79 = math.sqrt %get3A_78 : f32
      %get3A_80 = arith.constant 1 : index
      %get3A_81 = memref.load %arg10[%get3A_80] : memref<3xf32, #tpu.memory_space<smem>>
      %sqrt3A_82 = math.sqrt %get3A_81 : f32
      %add3A_83 = arith.addf %sqrt3A_79, %sqrt3A_82 : f32
      %get3A_84 = arith.constant 2 : index
      %get3A_85 = memref.load %arg10[%get3A_84] : memref<3xf32, #tpu.memory_space<smem>>
      %sqrt3A_86 = math.sqrt %get3A_85 : f32
      %add3A_87 = arith.addf %add3A_83, %sqrt3A_86 : f32
      %mul3A_88 = arith.constant 0.00999999977 : f32
      %mul3A_89 = arith.mulf %mul3A_88, %add3A_87 : f32
      %broadcast_in_dim3A_90 = vector.broadcast %mul3A_89 : f32 to vector<1x1xf32>
      %swap3A_91 = arith.constant 0 : index
      %swap3A_92 = arith.constant 0 : index
      %swap3A_93 = vector.load %arg9[%swap3A_91, %swap3A_92] : memref<1x1xf32, #tpu.memory_space<vmem>>, vector<1x1xf32>
      tpu.vector_store %arg9[%swap3A_91, %swap3A_92], %broadcast_in_dim3A_90 {strides = array<i32>} : memref<1x1xf32, #tpu.memory_space<vmem>>, vector<1x1xf32>,
    } else {
    }
    return
  }
  func.func @transform_0(%arg0: i32) -> (i32, i32) {
    %c0_i32 = arith.constant 0 : i32
    %c0_i32_0 = arith.constant 0 : i32
    return %arg0, %c0_i32 : i32, i32
  }
  func.func @transform_1(%arg0: i32) -> (i32, i32) {
    %c0_i32 = arith.constant 0 : i32
    %c0_i32_0 = arith.constant 0 : i32
    return %arg0, %c0_i32 : i32, i32
  }
  func.func @transform_2(%arg0: i32) -> (i32, i32) {
    %c0_i32 = arith.constant 0 : i32
    %c0_i32_0 = arith.constant 0 : i32
    return %arg0, %c0_i32 : i32, i32
  }
  func.func @transform_3(%arg0: i32) -> (i32, i32) {
    %c0_i32 = arith.constant 0 : i32
    %c0_i32_0 = arith.constant 0 : i32
    %c0_i32_1 = arith.constant 0 : i32
    return %c0_i32, %c0_i32_0 : i32, i32
  }
  func.func @transform_4(%arg0: i32) -> (i32, i32) {
    %c0_i32 = arith.constant 0 : i32
    %c0_i32_0 = arith.constant 0 : i32
    %c0_i32_1 = arith.constant 0 : i32
    return %c0_i32, %c0_i32_0 : i32, i32
  }
  func.func @transform_5(%arg0: i32) -> (i32, i32) {
    %c0_i32 = arith.constant 0 : i32
    %c0_i32_0 = arith.constant 0 : i32
    %c0_i32_1 = arith.constant 0 : i32
    return %c0_i32, %c0_i32_0 : i32, i32
  }
  func.func @transform_6(%arg0: i32) -> (i32, i32) {
    %c0_i32 = arith.constant 0 : i32
    %c0_i32_0 = arith.constant 0 : i32
    %c0_i32_1 = arith.constant 0 : i32
    return %c0_i32, %c0_i32_0 : i32, i32
  }
  func.func @transform_7(%arg0: i32) -> (i32, i32) {
    %c0_i32 = arith.constant 0 : i32
    %c0_i32_0 = arith.constant 0 : i32
    return %arg0, %c0_i32 : i32, i32
  }
  func.func @transform_8(%arg0: i32) -> (i32, i32) {
    %c0_i32 = arith.constant 0 : i32
    %c0_i32_0 = arith.constant 0 : i32
    %c0_i32_1 = arith.constant 0 : i32
    return %c0_i32, %c0_i32_0 : i32, i32
  }
}

</mosaic_0001>

<sc_bundles>
// kernel: kernel.4.cloned.1.call-start
scs
__scs_entry_jumppad:
0x0: {  	(pc) =	sbr.rel $0x88, $3  }
0x1: {  	(tag) =	ssettag $0x0;
	lr =	simm.s32 $0x1  }
0x2: {  	[smem:$0x3F97] =	sst lr;
	_ =	strace $0xD0000000  }
0x3: {  	_ = 	snop  }
0x4: {  	_ = 	snop  }
0x5: {  	_ = 	snop  }
0x6: {  	_ = 	snop  }
0x7: {  	_ = 	snop  }
__scs_overlays_trampoline_lowered:
0x8: {  	[smem:$0x3FA6] =	sst s0  }
0x9: {  	[smem:$0x3FA7] =	sst s1  }
0xa: {  	[smem:$0x3FA8] =	sst s2  }
0xb: {  	[smem:$0x3FA9] =	sst s3  }
0xc: {  	[smem:$0x3FAA] =	sst s4  }
0xd: {  	[smem:$0x3FAB] =	sst s5  }
0xe: {  	[smem:$0x3FAC] =	sst s6  }
0xf: {  	[smem:$0x3FAD] =	sst s7  }
0x10: {  	[smem:$0x3FAE] =	sst s8  }
0x11: {  	[smem:$0x3FAF] =	sst s9;
	s0 =	simm.s32 @!p0 $0x0  }
0x12: {  	s1 =	sld [smem:$0x3F95];
	s0 =	simm.s32 @p0 $0x1  }
0x13: {  	[smem:$0x3FB0] =	sst s0;
	s0 =	simm.s32 @!p1 $0x0  }
0x14: {  	s2 =	sld [smem:$0x3F94];
	s0 =	simm.s32 @p1 $0x1  }
0x15: {  	[smem:$0x3FB1] =	sst s0;
	s0 =	simm.s32 @!p2 $0x0  }
0x16: {  	s3 =	sld [smem:$0x3FDB];
	s0 =	simm.s32 @p2 $0x1  }
0x17: {  	s4 =	simm.s32 $0x1BF5;
	[smem:$0x3FB3] =	sst s0  }
0x18: {  	s0 =	sld [smem:$0x3F96];
	_ =	swait.ge [sflag:s4], $0x0  }
0x19: {  	s7 =	sld [smem:$0x3F97]  }
0x1a: {  	s8 =	sadd.s32 $0xFFFFE003, lr  }
0x1b: {  	s9 =	sadd.s32 $0xFFFFFEF7, lr;
	s5 =	simm.s32 $0xFFFFFFFF;
	p2 =	slt.u32 s8, $0xFFFFF086  }
0x1c: {  	p1 =	slt.u32 s9, $0xF7A;
	s5 =	simm.s32 @!p2 $0x0  }
0x1d: {  	s5 =	simm.s32 @p1 $0x1;
	p0 =	seq.s32 s7, s2  }
0x1e: {  	s7 =	smul.u32 @!p0 $0xF7A, s2;
	p2 =	seq.s32 @!p0 s5, $0x0  }
0x1f: {  	s9 =	smul.u32 $0xF7A, s1;
	s8 =	simm.s32 @!p0 $0x1BF5;
	p2 =	por !p2, p0  }
0x20: {  	[sflag:s8] =	ssyncset.s32 @!p0 $0xFFFFF086;
	s6 =	sadd.s32 @!p0 s3, s7;
	s7 =	simm.s32 @!p0 $0x108  }
0x21: {  	s3 =	sadd.s32 s3, s9;
	s6 =	sadd.s32 @!p0 $0x88, s6;
	s7 =	simm.s32 @p2 $0x1082  }
0x22: {  	[simem:s7], [sflag:s8] =	dma.local @!p0 [hbm:s6], $0xF7A  }
0x23: {  	s9 =	sor.u32 $0xD0000000, s2;
	s6 =	simm.s32 $0x108;
	_ =	swait.ge @!p0 [sflag:s8], $0x0  }
0x24: {  	s3 =	sadd.s32 $0x88, s3;
	s6 =	simm.s32 @!p1 $0x1082;
	[sflag:s4] =	ssyncset.s32 $0xFFFFF086  }
0x25: {  	[simem:s6], [sflag:s4] =	dma.local [hbm:s3], $0xF7A  }
0x26: {  	[smem:$0x3F97] =	sst s1;
	(tag) =	ssettag s2;
	_ =	strace s9  }
0x27: {  	s1 =	sld [smem:$0x3FA7]  }
0x28: {  	s2 =	sld [smem:$0x3FA8]  }
0x29: {  	s4 =	sld [smem:$0x3FAA]  }
0x2a: {  	p0 =	seq.s32 s5, $0x0;
	s5 =	sld [smem:$0x3FAB]  }
0x2b: {  	s6 =	sld [smem:$0x3FAC]  }
0x2c: {  	s7 =	sld [smem:$0x3FAD]  }
0x2d: {  	s3 =	simm.s32 $0x108;
	s8 =	sld [smem:$0x3FAE]  }
0x2e: {  	s3 =	simm.s32 @!p0 $0x1082;
	s9 =	sld [smem:$0x3FAF]  }
0x2f: {  	lr =	sadd.s32 s0, s3;
	s0 =	sld [smem:$0x3FA6]  }
0x30: {  	s3 =	sld [smem:$0x3FA9]  }
0x31: {  	[smem:$0x3FB2] =	sst s10  }
0x32: {  	s10 =	sld [smem:$0x3FB0];
	_ =	sdelay $0x3  }
0x33: {  	p0 =	seq.s32 s10, $0x1;
	s10 =	sld [smem:$0x3FB2];
	_ =	sdelay $0x3  }
0x34: {  	[smem:$0x3FB2] =	sst s10  }
0x35: {  	s10 =	sld [smem:$0x3FB1];
	_ =	sdelay $0x3  }
0x36: {  	p1 =	seq.s32 s10, $0x1;
	s10 =	sld [smem:$0x3FB2];
	_ =	sdelay $0x3  }
0x37: {  	[smem:$0x3FB2] =	sst s10  }
0x38: {  	s10 =	sld [smem:$0x3FB3]  }
0x39: {  	_ = 	snop;
	(pc) =	sbr.ind lr, $3  }
0x3a: {  	_ = 	snop  }
0x3b: {  	_ = 	snop  }
0x3c: {  	p2 =	seq.s32 s10, $0x1;
	s10 =	sld [smem:$0x3FB2]  }
0x3d: {  	_ =	shalt  }
0x3e: {  	_ =	shalt  }
0x3f: {  	_ =	shalt  }
0x40: {  	_ =	shalt  }
0x41: {  	_ =	shalt  }
0x42: {  	_ =	shalt  }
0x43: {  	_ =	shalt  }
0x44: {  	_ =	shalt  }
0x45: {  	_ =	shalt  }
0x46: {  	_ =	shalt  }
0x47: {  	_ =	shalt  }
0x48: {  	_ =	shalt  }
0x49: {  	_ =	shalt  }
0x4a: {  	_ =	shalt  }
0x4b: {  	_ =	shalt  }
0x4c: {  	_ =	shalt  }
0x4d: {  	_ =	shalt  }
0x4e: {  	_ =	shalt  }
0x4f: {  	_ =	shalt  }
0x50: {  	_ =	shalt  }
0x51: {  	_ =	shalt  }
0x52: {  	_ =	shalt  }
0x53: {  	_ =	shalt  }
0x54: {  	_ =	shalt  }
0x55: {  	_ =	shalt  }
0x56: {  	_ =	shalt  }
0x57: {  	_ =	shalt  }
0x58: {  	_ =	shalt  }
0x59: {  	_ =	shalt  }
0x5a: {  	_ =	shalt  }
0x5b: {  	_ =	shalt  }
0x5c: {  	_ =	shalt  }
0x5d: {  	_ =	shalt  }
0x5e: {  	_ =	shalt  }
0x5f: {  	_ =	shalt  }
0x60: {  	_ =	shalt  }
0x61: {  	_ =	shalt  }
0x62: {  	_ =	shalt  }
0x63: {  	_ =	shalt  }
0x64: {  	_ =	shalt  }
0x65: {  	_ =	shalt  }
0x66: {  	_ =	shalt  }
0x67: {  	_ =	shalt  }
0x68: {  	_ =	shalt  }
0x69: {  	_ =	shalt  }
0x6a: {  	_ =	shalt  }
0x6b: {  	_ =	shalt  }
0x6c: {  	_ =	shalt  }
0x6d: {  	_ =	shalt  }
0x6e: {  	_ =	shalt  }
0x6f: {  	_ =	shalt  }
0x70: {  	_ =	shalt  }
0x71: {  	_ =	shalt  }
0x72: {  	_ =	shalt  }
0x73: {  	_ =	shalt  }
0x74: {  	_ =	shalt  }
0x75: {  	_ =	shalt  }
0x76: {  	_ =	shalt  }
0x77: {  	_ =	shalt  }
0x78: {  	_ =	shalt  }
0x79: {  	_ =	shalt  }
0x7a: {  	_ =	shalt  }
0x7b: {  	_ =	shalt  }
0x7c: {  	_ =	shalt  }
0x7d: {  	_ =	shalt  }
0x7e: {  	_ =	shalt  }
0x7f: {  	_ =	shalt  }
0x80: {  	_ =	shalt  }
0x81: {  	_ =	shalt  }
0x82: {  	_ =	shalt  }
0x83: {  	_ =	shalt  }
0x84: {  	_ =	shalt  }
0x85: {  	_ =	shalt  }
0x86: {  	_ =	shalt  }
0x87: {  	_ =	shalt  }
.Lfunc_end0:
.L_simem_size_0:
called_computation_lowered:
.L_overlay_start_0:
0x88: {  	s2 =	sld [smem:$0x3FD9]  }
0x89: {  	s3 =	sld [smem:$0x3FFE];
	_ =	sdelay $0x1  }
0x8a: {  	s1 =	srdreg.scid  }
0x8b: {  	s0 =	sand.u32 $0x1, s1  }
0x8c: {  	s17 =	sshll.u32 s0, $0xA;
	s2 =	sadd.s32 s3, s2  }
0x8d: {  	s2 =	sadd.s32 s2, s17  }
0x8e: {  	[smem:$0x3FBE] =	sst s2  }
0x8f: {  	_ = 	snop  }
0x90: {  	s2 =	sld [smem:$0x3FC9]  }
0x91: {  	s18 =	sld [smem:$0x3FC8]  }
0x92: {  	s4 =	sld [smem:$0x3FC7];
	(tm) =	ssettm $0x1  }
0x93: {  	s5 =	sld [smem:$0x3FFB];
	_ =	sdelay $0x3  }
0x94: {  	_ =	strace s5  }
0x95: {  	s5 =	sld [smem:$0x3FFC];
	_ =	sdelay $0x3  }
0x96: {  	_ =	strace s5  }
0x97: {  	s5 =	sld [smem:$0x3FFD];
	_ =	sdelay $0x3  }
0x98: {  	_ =	strace s5  }
0x99: {  	_ =	strace $0x8FFFFFFF  }
0x9a: {  	s19 =	sld [smem:$0x3FDB];
	_ =	sdelay $0x1  }
0x9b: {  	s6 =	simm.s32 $_scs_section_size  }
0x9c: {  	s7 =	simm.s32 $_size__tile_overlayer_lowered;
	s8 =	simm.s32 $_tile_overlayer_lowered  }
0x9d: {  	s22 =	simm.s32 $0x1BFF;
	s21 =	sshll.u32 s8, $0x1;
	s5 =	sadd.s32 s6, s19  }
0x9e: {  	s9 =	simm.s32 $0x0;
	s20 =	sshll.u32 s7, $0x1;
	s7 =	sadd.s32 s21, s5  }
0x9f: {  	[timem:s9], [sflag:s22] =	dma.local [hbm:s7], s20  }
0xa0: {  	_ =	swait.ge [sflag:s22], s20  }
0xa1: {  	s6 =	ssub.s32 $0x0, s20;
	[sflag:s22] =	ssyncset.done $0x0  }
0xa2: {  	[sflag:s22] =	ssyncadd.s32 s6;
	_ =	sdelay $0x1  }
0xa3: {  	s23 =	simm.s32 $0x1B8B  }
0xa4: {  	_ =	swait.ge [sflag:s23], $0x1  }
0xa5: {  	[sflag:s23] =	ssyncset.done $0x0  }
0xa6: {  	s25 =	simm.s32 $0x1B8E;
	s24 =	sld [smem:$0x3FFE];
	[sflag:s23] =	ssyncadd.s32 $0xFFFFFFFF  }
0xa7: {  	s26 =	simm.s32 $execute0_lowered;
	[smem:$0x3FD2] =	sst s25  }
0xa8: {  	s7 =	sshll.u32 s26, $0x1;
	_ =	strace $0x80000046;
	[dreg:$0x1] =	wrdreg $0xFFFFFFFF  }
0xa9: {  	s28 =	simm.s32 $_size_execute0_lowered;
	s5 =	sadd.s32 s5, s7;
	[dreg:$0x0] =	wrdreg $0x0  }
0xaa: {  	s7 =	sshll.u32 s28, $0x1;
	[dreg:$0x2] =	wrdreg s5  }
0xab: {  	[dreg:$0x3] =	wrdreg s7  }
0xac: {  	[dreg:$0x4] =	wrdreg $0xC0  }
0xad: {  	_ =	task [dreg:s9], $0x5FFFF  }
0xae: {  	[dreg:$0x1] =	wrdreg $0xFFFFFFFF  }
0xaf: {  	[dreg:$0x0] =	wrdreg $0x60  }
0xb0: {  	[dreg:$0x2] =	wrdreg s2  }
0xb1: {  	[dreg:$0x3] =	wrdreg s18  }
0xb2: {  	[dreg:$0x4] =	wrdreg s4  }
0xb3: {  	[dreg:$0x5] =	wrdreg s24  }
0xb4: {  	[dreg:$0x6] =	wrdreg $0x9  }
0xb5: {  	_ =	task.clear_ibuf [dreg:s9], $0x7FFFF;
	_ =	strace $0x90000046  }
0xb6: {  	s29 =	simm.s32 $0x9;
	_ =	strace $0x80000048  }
0xb7: {  	_ =	swait.ge [sflag:s29], $0x1  }
0xb8: {  	[sflag:s29] =	ssyncadd.s32 $0xFFFFFFFF  }
0xb9: {  	_ =	strace $0x90000048  }
0xba: {  	_ =	sfence  }
0xbb: {  	s30 =	sld [smem:$0x0];
	_ =	sdelay $0x2  }
0xbc: {  	s31 =	sshll.u32 s1, $0xD;
	s1 =	sshrl.u32 s1, $0x2  }
0xbd: {  	s3 =	sand.u32 $0x4000, s31;
	s1 =	sadd.s32 s1, s30  }
0xbe: {  	s0 =	sor.u32 s3, s0;
	s1 =	sshll.u32 s1, $0x11  }
0xbf: {  	s0 =	sor.u32 s1, s0  }
0xc0: {  	s0 =	sadd.s32 $0x8F2B, s0  }
0xc1: {  	[sflag:s0] =	ssyncadd.remote.s32 $0x1  }
0xc2: {  	_ =	sfence.sel $0xFFFF  }
0xc3: {  	[dreg:$0x0] =	wrdreg $0xFFFFFFFF;
	(pc) =	sbr.abs _section_cstart, $3  }
0xc4: {  	[dreg:$0x1] =	wrdreg $0xFFFFFFFF  }
0xc5: {  	_ =	task.clear_ibuf [dreg:s9], $0x2FFFF;
	_ =	strace $0x9FFFFFFF  }
0xc6: {  	(tm) =	ssettm $0x7FFFFFFF  }
0xc7: {  	_ =	shalt  }
tec
execute0_lowered:
.L_overlay_start_1:
0x0: {  	(tag) =	ssettag $0x1  }
0x1: {  	s6 =	rddreg [dreg:$0x0]  }
0x2: {  	s8 =	rddreg [dreg:$0x1]  }
0x3: {  	s10 =	rddreg [dreg:$0x2]  }
0x4: {  	s7 =	rddreg [dreg:$0x3]  }
0x5: {  	s0 =	rddreg [dreg:$0x4];
	s2 =	simm.s32 $0x0;
	s3 =	srdreg.scid  }
0x6: {  	s1 =	stileid.u32;
	s14 =	simm.s32 $0x1;
	s15 =	simm.s32 $0x200  }
0x7: {  	s16 =	simm.s32 $0x0;
	[smem:$0x7FF] =	sst s2;
	s9 =	sand.u32 $0x1, s3  }
0x8: {  	s5 =	sshll.u32 s1, $0xA;
	s3 =	sadd.s32 $0x1200, s7;
	s4 =	sadd.s32 $0xF43600, s7  }
0x9: {  	_ =	strace $0x80000047;
	s11 =	sshll.u32 s9, $0x9;
	s9 =	ssub.s32 $0x2, s9  }
0xa: {  	s11 =	sor.u32 s11, s5;
	s5 =	sadd.s32 $0x1E85A00, s7;
	s31 =	sshrl.u32 s9, $0x1  }
0xb: {  	s12 =	sshll.u32 s11, $0x4;
	s11 =	sshrl.u32 s11, $0x3;
	s13 =	ssub.s32 s9, s31  }
0xc: {  	s12 =	sadd.s32 s12, s7;
	s6 =	sadd.s32 s6, s11;
	s8 =	sadd.s32 s8, s11  }
0xd: {  	s10 =	sadd.s32 s10, s11;
	s7 =	sadd.s32 $0x2DC7E00, s12;
	s9 =	sadd.s32 $0x2E07E00, s12  }
0xe: {  	s11 =	sadd.s32 $0x2E47E00, s12;
	s12 =	smax.u32 s13, $0x1;
	s13 =	simm.s32 $0x2  }
.LBB2_1:
0xf: {  	[tilespmem:s2], [sflag:$0x2] =	stream.linear.gather [hbm4b:s6+s2], $0x200, $0x38;
	[tilespmem:$0x10200] =	vst v63  }
0x10: {  	_ =	swait.ge [sflag:s13], $0x200  }
0x11: {  	[sflag:s13] =	ssyncset.done $0x0  }
0x12: {  	s17 =	simm.s32 $0x0;
	s18 =	simm.s32 $0x0;
	[sflag:s13] =	ssyncadd.s32 $0xFFFFFE00  }
.LBB2_2:
0x13: {  	v0 =	vld [tilespmem:s17+$0x0];
	_ =	sdelay $0x4  }
0x14: {  	v1 =	vshrl.u32 v0, $0x3  }
0x15: {  	v0 =	vand.u32 $0x7, v0;
	v1 =	vshll.u32 v1, $0xA  }
0x16: {  	v0 =	vshll.u32 v0, $0x7;
	(v2sf) =	vpush v1, $0x0  }
0x17: {  	(v2sf) =	vpush v0, $0x0;
	_ =	sdelay $0x2  }
0x18: {  	(v2sf) =	vpush v1, $0x1  }
0x19: {  	(v2sf) =	vpush v0, $0x1;
	_ =	sdelay $0x1  }
0x1a: {  	(v2sf) =	vpush v1, $0x2;
	_ =	sdelay $0x1  }
0x1b: {  	(v2sf) =	vpush v0, $0x2;
	_ =	sdelay $0x5  }
0x1c: {  	s19 =	spop (v2sf);
	(v2sf) =	vpush v1, $0x3  }
0x1d: {  	s20 =	spop (v2sf);
	(v2sf) =	vpush v0, $0x3;
	_ =	sdelay $0x2  }
0x1e: {  	s23 =	spop (v2sf);
	(v2sf) =	vpush v1, $0x4  }
0x1f: {  	s24 =	spop (v2sf);
	(v2sf) =	vpush v0, $0x4;
	_ =	sdelay $0x1  }
0x20: {  	s26 =	spop (v2sf);
	(v2sf) =	vpush v1, $0x5;
	_ =	sdelay $0x1  }
0x21: {  	s28 =	spop (v2sf);
	(v2sf) =	vpush v0, $0x5;
	_ =	sdelay $0x1  }
0x22: {  	s20 =	sor.u32 s20, s19  }
0x23: {  	s19 =	sshra.s32 s18, $0x2;
	s20 =	sshrl.u32 s20, $0x3  }
0x24: {  	s21 =	sadd.s32 $0x200, s19;
	s20 =	sadd.s32 s3, s20  }
0x25: {  	[tilespmem:s21], [sflag:$0x1] =	stream.linear.gather [hbm4b:s20+s2], $0x80, $0x38;
	[tilespmem:$0x10200] =	vst v63  }
0x26: {  	s20 =	sor.u32 s24, s23;
	s30 =	spop (v2sf);
	(v2sf) =	vpush v1, $0x6  }
0x27: {  	s20 =	sshrl.u32 s20, $0x3;
	s31 =	spop (v2sf);
	(v2sf) =	vpush v0, $0x6  }
0x28: {  	s25 =	sadd.s32 $0x280, s19;
	s20 =	sadd.s32 s3, s20  }
0x29: {  	[tilespmem:s25], [sflag:$0x1] =	stream.linear.gather [hbm4b:s20+s2], $0x80, $0x38;
	[tilespmem:$0x10200] =	vst v63  }
0x2a: {  	s23 =	spop (v2sf);
	(v2sf) =	vpush v1, $0x7  }
0x2b: {  	s20 =	sor.u32 s28, s26;
	s24 =	spop (v2sf);
	(v2sf) =	vpush v0, $0x7  }
0x2c: {  	s20 =	sshrl.u32 s20, $0x3  }
0x2d: {  	s29 =	sadd.s32 $0x300, s19;
	s20 =	sadd.s32 s3, s20;
	s26 =	spop (v2sf);
	(v2sf) =	vpush v1, $0x8  }
0x2e: {  	[tilespmem:s29], [sflag:$0x1] =	stream.linear.gather [hbm4b:s20+s2], $0x80, $0x38;
	[tilespmem:$0x10200] =	vst v63  }
0x2f: {  	s28 =	spop (v2sf);
	(v2sf) =	vpush v0, $0x8  }
0x30: {  	s20 =	sor.u32 s31, s30  }
0x31: {  	s20 =	sshrl.u32 s20, $0x3  }
0x32: {  	s22 =	sadd.s32 $0x380, s19;
	s20 =	sadd.s32 s3, s20  }
0x33: {  	[tilespmem:s22], [sflag:$0x1] =	stream.linear.gather [hbm4b:s20+s2], $0x80, $0x38;
	[tilespmem:$0x10200] =	vst v63  }
0x34: {  	s20 =	sor.u32 s24, s23  }
0x35: {  	s20 =	sshrl.u32 s20, $0x3;
	s30 =	spop (v2sf);
	(v2sf) =	vpush v1, $0x9  }
0x36: {  	s25 =	sadd.s32 $0x400, s19;
	s20 =	sadd.s32 s3, s20;
	s31 =	spop (v2sf);
	(v2sf) =	vpush v0, $0x9  }
0x37: {  	[tilespmem:s25], [sflag:$0x1] =	stream.linear.gather [hbm4b:s20+s2], $0x80, $0x38;
	[tilespmem:$0x10200] =	vst v63  }
0x38: {  	s20 =	sor.u32 s28, s26  }
0x39: {  	s20 =	sshrl.u32 s20, $0x3;
	s23 =	spop (v2sf);
	(v2sf) =	vpush v1, $0xA  }
0x3a: {  	s29 =	sadd.s32 $0x480, s19;
	s20 =	sadd.s32 s3, s20;
	s24 =	spop (v2sf);
	(v2sf) =	vpush v0, $0xA  }
0x3b: {  	[tilespmem:s29], [sflag:$0x1] =	stream.linear.gather [hbm4b:s20+s2], $0x80, $0x38;
	[tilespmem:$0x10200] =	vst v63  }
0x3c: {  	s20 =	sor.u32 s31, s30;
	s26 =	spop (v2sf);
	(v2sf) =	vpush v1, $0xB  }
0x3d: {  	s20 =	sshrl.u32 s20, $0x3  }
0x3e: {  	s22 =	sadd.s32 $0x500, s19;
	s20 =	sadd.s32 s3, s20;
	s28 =	spop (v2sf);
	(v2sf) =	vpush v0, $0xB  }
0x3f: {  	[tilespmem:s22], [sflag:$0x1] =	stream.linear.gather [hbm4b:s20+s2], $0x80, $0x38;
	[tilespmem:$0x10200] =	vst v63  }
0x40: {  	s20 =	sor.u32 s24, s23  }
0x41: {  	s20 =	sshrl.u32 s20, $0x3  }
0x42: {  	s25 =	sadd.s32 $0x580, s19;
	s20 =	sadd.s32 s3, s20  }
0x43: {  	[tilespmem:s25], [sflag:$0x1] =	stream.linear.gather [hbm4b:s20+s2], $0x80, $0x38;
	[tilespmem:$0x10200] =	vst v63  }
0x44: {  	s20 =	sor.u32 s28, s26;
	s30 =	spop (v2sf);
	(v2sf) =	vpush v1, $0xC  }
0x45: {  	s20 =	sshrl.u32 s20, $0x3;
	s31 =	spop (v2sf);
	(v2sf) =	vpush v0, $0xC  }
0x46: {  	s29 =	sadd.s32 $0x600, s19;
	s20 =	sadd.s32 s3, s20  }
0x47: {  	[tilespmem:s29], [sflag:$0x1] =	stream.linear.gather [hbm4b:s20+s2], $0x80, $0x38;
	[tilespmem:$0x10200] =	vst v63  }
0x48: {  	s23 =	spop (v2sf);
	(v2sf) =	vpush v1, $0xD  }
0x49: {  	s20 =	sor.u32 s31, s30;
	s24 =	spop (v2sf);
	(v2sf) =	vpush v0, $0xD  }
0x4a: {  	s20 =	sshrl.u32 s20, $0x3  }
0x4b: {  	s22 =	sadd.s32 $0x680, s19;
	s20 =	sadd.s32 s3, s20;
	s26 =	spop (v2sf)  }
0x4c: {  	(v2sf) =	vpush v1, $0xE;
	[tilespmem:s22], [sflag:$0x1] =	stream.linear.gather [hbm4b:s20+s2], $0x80, $0x38;
	[tilespmem:$0x10200] =	vst v63  }
0x4d: {  	s28 =	spop (v2sf);
	(v2sf) =	vpush v0, $0xE  }
0x4e: {  	s20 =	sor.u32 s24, s23  }
0x4f: {  	s20 =	sshrl.u32 s20, $0x3  }
0x50: {  	s25 =	sadd.s32 $0x700, s19;
	s20 =	sadd.s32 s3, s20  }
0x51: {  	[tilespmem:s25], [sflag:$0x1] =	stream.linear.gather [hbm4b:s20+s2], $0x80, $0x38;
	[tilespmem:$0x10200] =	vst v63  }
0x52: {  	s20 =	sor.u32 s28, s26  }
0x53: {  	s20 =	sshrl.u32 s20, $0x3;
	s30 =	spop (v2sf);
	(v2sf) =	vpush v1, $0xF  }
0x54: {  	s29 =	sadd.s32 $0x780, s19;
	s20 =	sadd.s32 s3, s20;
	s31 =	spop (v2sf);
	(v2sf) =	vpush v0, $0xF  }
0x55: {  	[tilespmem:s29], [sflag:$0x1] =	stream.linear.gather [hbm4b:s20+s2], $0x80, $0x38;
	[tilespmem:$0x10200] =	vst v63  }
0x56: {  	s20 =	sor.u32 s31, s30  }
0x57: {  	s23 =	spop (v2sf);
	s20 =	sshrl.u32 s20, $0x3  }
0x58: {  	s22 =	sadd.s32 $0x800, s19;
	s24 =	spop (v2sf);
	s20 =	sadd.s32 s3, s20  }
0x59: {  	[tilespmem:s22], [sflag:$0x1] =	stream.linear.gather [hbm4b:s20+s2], $0x80, $0x38;
	[tilespmem:$0x10200] =	vst v63  }
0x5a: {  	s20 =	sor.u32 s24, s23  }
0x5b: {  	s26 =	spop (v2sf);
	s20 =	sshrl.u32 s20, $0x3  }
0x5c: {  	s25 =	sadd.s32 $0x880, s19;
	s28 =	spop (v2sf);
	s20 =	sadd.s32 s3, s20  }
0x5d: {  	[tilespmem:s25], [sflag:$0x1] =	stream.linear.gather [hbm4b:s20+s2], $0x80, $0x38;
	[tilespmem:$0x10200] =	vst v63  }
0x5e: {  	s20 =	sor.u32 s28, s26  }
0x5f: {  	s20 =	sshrl.u32 s20, $0x3  }
0x60: {  	s29 =	sadd.s32 $0x900, s19;
	s20 =	sadd.s32 s3, s20  }
0x61: {  	[tilespmem:s29], [sflag:$0x1] =	stream.linear.gather [hbm4b:s20+s2], $0x80, $0x38;
	[tilespmem:$0x10200] =	vst v63  }
0x62: {  	p0 =	sne.s32 s18, $0x3E000;
	s30 =	spop (v2sf)  }
.Ltmp0:
0x63: {  	s31 =	spop (v2sf);
	(pc) =	sbr.rel @p0 .LBB2_2-.Ltmp0, $4  }
0x64: {  	s20 =	sor.u32 s31, s30  }
0x65: {  	s17 =	sadd.s32 $0x10, s17;
	s20 =	sshrl.u32 s20, $0x3  }
0x66: {  	s18 =	sadd.s32 $0x2000, s18;
	s19 =	sadd.s32 $0x980, s19;
	s20 =	sadd.s32 s3, s20  }
0x67: {  	[tilespmem:s19], [sflag:$0x1] =	stream.linear.gather [hbm4b:s20+s2], $0x80, $0x38;
	[tilespmem:$0x10200] =	vst v63  }
0x68: {  	_ =	swait.ge [sflag:s14], $0x10000  }
0x69: {  	[sflag:s14] =	ssyncset.done $0x0  }
0x6a: {  	s17 =	simm.s32 $0x0;
	[sflag:s14] =	ssyncadd.s32 $0xFFFF0000  }
0x6b: {  	[hbm4b:s7+s17] =	stream.linear.scatter [tilespmem:s15], [sflag:$0x2], $0x10000, $0x38;
	[tilespmem:$0x10200] =	vst v63  }
0x6c: {  	_ =	swait.ge [sflag:s13], $0x10000  }
0x6d: {  	[sflag:s13] =	ssyncset.done $0x0  }
0x6e: {  	[sflag:s13] =	ssyncadd.s32 $0xFFFF0000  }
0x6f: {  	[tilespmem:s17], [sflag:$0x2] =	stream.linear.gather [hbm4b:s8+s17], $0x200, $0x38;
	[tilespmem:$0x10200] =	vst v63  }
0x70: {  	_ =	swait.ge [sflag:s13], $0x200  }
0x71: {  	[sflag:s13] =	ssyncset.done $0x0  }
0x72: {  	s18 =	simm.s32 $0x0;
	[sflag:s13] =	ssyncadd.s32 $0xFFFFFE00  }
.LBB2_4:
0x73: {  	v0 =	vld [tilespmem:s17+$0x0];
	_ =	sdelay $0x4  }
0x74: {  	v1 =	vshrl.u32 v0, $0x3  }
0x75: {  	v0 =	vand.u32 $0x7, v0;
	v1 =	vshll.u32 v1, $0xA  }
0x76: {  	v0 =	vshll.u32 v0, $0x7;
	(v2sf) =	vpush v1, $0x0  }
0x77: {  	(v2sf) =	vpush v0, $0x0;
	_ =	sdelay $0x2  }
0x78: {  	(v2sf) =	vpush v1, $0x1  }
0x79: {  	(v2sf) =	vpush v0, $0x1;
	_ =	sdelay $0x1  }
0x7a: {  	(v2sf) =	vpush v1, $0x2;
	_ =	sdelay $0x1  }
0x7b: {  	(v2sf) =	vpush v0, $0x2;
	_ =	sdelay $0x5  }
0x7c: {  	s19 =	spop (v2sf);
	(v2sf) =	vpush v1, $0x3  }
0x7d: {  	s20 =	spop (v2sf);
	(v2sf) =	vpush v0, $0x3;
	_ =	sdelay $0x2  }
0x7e: {  	s23 =	spop (v2sf);
	(v2sf) =	vpush v1, $0x4  }
0x7f: {  	s24 =	spop (v2sf);
	(v2sf) =	vpush v0, $0x4;
	_ =	sdelay $0x1  }
0x80: {  	s26 =	spop (v2sf);
	(v2sf) =	vpush v1, $0x5;
	_ =	sdelay $0x1  }
0x81: {  	s28 =	spop (v2sf);
	(v2sf) =	vpush v0, $0x5;
	_ =	sdelay $0x1  }
0x82: {  	s20 =	sor.u32 s20, s19  }
0x83: {  	s19 =	sshra.s32 s18, $0x2;
	s20 =	sshrl.u32 s20, $0x3  }
0x84: {  	s21 =	sadd.s32 $0x200, s19;
	s20 =	sadd.s32 s4, s20  }
0x85: {  	[tilespmem:s21], [sflag:$0x1] =	stream.linear.gather [hbm4b:s20+s2], $0x80, $0x38;
	[tilespmem:$0x10200] =	vst v63  }
0x86: {  	s20 =	sor.u32 s24, s23;
	s30 =	spop (v2sf);
	(v2sf) =	vpush v1, $0x6  }
0x87: {  	s20 =	sshrl.u32 s20, $0x3;
	s31 =	spop (v2sf);
	(v2sf) =	vpush v0, $0x6  }
0x88: {  	s25 =	sadd.s32 $0x280, s19;
	s20 =	sadd.s32 s4, s20  }
0x89: {  	[tilespmem:s25], [sflag:$0x1] =	stream.linear.gather [hbm4b:s20+s2], $0x80, $0x38;
	[tilespmem:$0x10200] =	vst v63  }
0x8a: {  	s23 =	spop (v2sf);
	(v2sf) =	vpush v1, $0x7  }
0x8b: {  	s20 =	sor.u32 s28, s26;
	s24 =	spop (v2sf);
	(v2sf) =	vpush v0, $0x7  }
0x8c: {  	s20 =	sshrl.u32 s20, $0x3  }
0x8d: {  	s29 =	sadd.s32 $0x300, s19;
	s20 =	sadd.s32 s4, s20;
	s26 =	spop (v2sf);
	(v2sf) =	vpush v1, $0x8  }
0x8e: {  	[tilespmem:s29], [sflag:$0x1] =	stream.linear.gather [hbm4b:s20+s2], $0x80, $0x38;
	[tilespmem:$0x10200] =	vst v63  }
0x8f: {  	s28 =	spop (v2sf);
	(v2sf) =	vpush v0, $0x8  }
0x90: {  	s20 =	sor.u32 s31, s30  }
0x91: {  	s20 =	sshrl.u32 s20, $0x3  }
0x92: {  	s22 =	sadd.s32 $0x380, s19;
	s20 =	sadd.s32 s4, s20  }
0x93: {  	[tilespmem:s22], [sflag:$0x1] =	stream.linear.gather [hbm4b:s20+s2], $0x80, $0x38;
	[tilespmem:$0x10200] =	vst v63  }
0x94: {  	s20 =	sor.u32 s24, s23  }
0x95: {  	s20 =	sshrl.u32 s20, $0x3;
	s30 =	spop (v2sf);
	(v2sf) =	vpush v1, $0x9  }
0x96: {  	s25 =	sadd.s32 $0x400, s19;
	s20 =	sadd.s32 s4, s20;
	s31 =	spop (v2sf);
	(v2sf) =	vpush v0, $0x9  }
0x97: {  	[tilespmem:s25], [sflag:$0x1] =	stream.linear.gather [hbm4b:s20+s2], $0x80, $0x38;
	[tilespmem:$0x10200] =	vst v63  }
0x98: {  	s20 =	sor.u32 s28, s26  }
0x99: {  	s20 =	sshrl.u32 s20, $0x3;
	s23 =	spop (v2sf);
	(v2sf) =	vpush v1, $0xA  }
0x9a: {  	s29 =	sadd.s32 $0x480, s19;
	s20 =	sadd.s32 s4, s20;
	s24 =	spop (v2sf);
	(v2sf) =	vpush v0, $0xA  }
0x9b: {  	[tilespmem:s29], [sflag:$0x1] =	stream.linear.gather [hbm4b:s20+s2], $0x80, $0x38;
	[tilespmem:$0x10200] =	vst v63  }
0x9c: {  	s20 =	sor.u32 s31, s30;
	s26 =	spop (v2sf);
	(v2sf) =	vpush v1, $0xB  }
0x9d: {  	s20 =	sshrl.u32 s20, $0x3  }
0x9e: {  	s22 =	sadd.s32 $0x500, s19;
	s20 =	sadd.s32 s4, s20;
	s28 =	spop (v2sf);
	(v2sf) =	vpush v0, $0xB  }
0x9f: {  	[tilespmem:s22], [sflag:$0x1] =	stream.linear.gather [hbm4b:s20+s2], $0x80, $0x38;
	[tilespmem:$0x10200] =	vst v63  }
0xa0: {  	s20 =	sor.u32 s24, s23  }
0xa1: {  	s20 =	sshrl.u32 s20, $0x3  }
0xa2: {  	s25 =	sadd.s32 $0x580, s19;
	s20 =	sadd.s32 s4, s20  }
0xa3: {  	[tilespmem:s25], [sflag:$0x1] =	stream.linear.gather [hbm4b:s20+s2], $0x80, $0x38;
	[tilespmem:$0x10200] =	vst v63  }
0xa4: {  	s20 =	sor.u32 s28, s26;
	s30 =	spop (v2sf);
	(v2sf) =	vpush v1, $0xC  }
0xa5: {  	s20 =	sshrl.u32 s20, $0x3;
	s31 =	spop (v2sf);
	(v2sf) =	vpush v0, $0xC  }
0xa6: {  	s29 =	sadd.s32 $0x600, s19;
	s20 =	sadd.s32 s4, s20  }
0xa7: {  	[tilespmem:s29], [sflag:$0x1] =	stream.linear.gather [hbm4b:s20+s2], $0x80, $0x38;
	[tilespmem:$0x10200] =	vst v63  }
0xa8: {  	s23 =	spop (v2sf);
	(v2sf) =	vpush v1, $0xD  }
0xa9: {  	s20 =	sor.u32 s31, s30;
	s24 =	spop (v2sf);
	(v2sf) =	vpush v0, $0xD  }
0xaa: {  	s20 =	sshrl.u32 s20, $0x3  }
0xab: {  	s22 =	sadd.s32 $0x680, s19;
	s20 =	sadd.s32 s4, s20;
	s26 =	spop (v2sf)  }
0xac: {  	(v2sf) =	vpush v1, $0xE;
	[tilespmem:s22], [sflag:$0x1] =	stream.linear.gather [hbm4b:s20+s2], $0x80, $0x38;
	[tilespmem:$0x10200] =	vst v63  }
0xad: {  	s28 =	spop (v2sf);
	(v2sf) =	vpush v0, $0xE  }
0xae: {  	s20 =	sor.u32 s24, s23  }
0xaf: {  	s20 =	sshrl.u32 s20, $0x3  }
0xb0: {  	s25 =	sadd.s32 $0x700, s19;
	s20 =	sadd.s32 s4, s20  }
0xb1: {  	[tilespmem:s25], [sflag:$0x1] =	stream.linear.gather [hbm4b:s20+s2], $0x80, $0x38;
	[tilespmem:$0x10200] =	vst v63  }
0xb2: {  	s20 =	sor.u32 s28, s26  }
0xb3: {  	s20 =	sshrl.u32 s20, $0x3;
	s30 =	spop (v2sf);
	(v2sf) =	vpush v1, $0xF  }
0xb4: {  	s29 =	sadd.s32 $0x780, s19;
	s20 =	sadd.s32 s4, s20;
	s31 =	spop (v2sf);
	(v2sf) =	vpush v0, $0xF  }
0xb5: {  	[tilespmem:s29], [sflag:$0x1] =	stream.linear.gather [hbm4b:s20+s2], $0x80, $0x38;
	[tilespmem:$0x10200] =	vst v63  }
0xb6: {  	s20 =	sor.u32 s31, s30  }
0xb7: {  	s23 =	spop (v2sf);
	s20 =	sshrl.u32 s20, $0x3  }
0xb8: {  	s22 =	sadd.s32 $0x800, s19;
	s24 =	spop (v2sf);
	s20 =	sadd.s32 s4, s20  }
0xb9: {  	[tilespmem:s22], [sflag:$0x1] =	stream.linear.gather [hbm4b:s20+s2], $0x80, $0x38;
	[tilespmem:$0x10200] =	vst v63  }
0xba: {  	s20 =	sor.u32 s24, s23  }
0xbb: {  	s26 =	spop (v2sf);
	s20 =	sshrl.u32 s20, $0x3  }
0xbc: {  	s25 =	sadd.s32 $0x880, s19;
	s28 =	spop (v2sf);
	s20 =	sadd.s32 s4, s20  }
0xbd: {  	[tilespmem:s25], [sflag:$0x1] =	stream.linear.gather [hbm4b:s20+s2], $0x80, $0x38;
	[tilespmem:$0x10200] =	vst v63  }
0xbe: {  	s20 =	sor.u32 s28, s26  }
0xbf: {  	s20 =	sshrl.u32 s20, $0x3  }
0xc0: {  	s29 =	sadd.s32 $0x900, s19;
	s20 =	sadd.s32 s4, s20  }
0xc1: {  	[tilespmem:s29], [sflag:$0x1] =	stream.linear.gather [hbm4b:s20+s2], $0x80, $0x38;
	[tilespmem:$0x10200] =	vst v63  }
0xc2: {  	p0 =	sne.s32 s18, $0x3E000;
	s30 =	spop (v2sf)  }
.Ltmp1:
0xc3: {  	s31 =	spop (v2sf);
	(pc) =	sbr.rel @p0 .LBB2_4-.Ltmp1, $4  }
0xc4: {  	s20 =	sor.u32 s31, s30  }
0xc5: {  	s17 =	sadd.s32 $0x10, s17;
	s20 =	sshrl.u32 s20, $0x3  }
0xc6: {  	s18 =	sadd.s32 $0x2000, s18;
	s19 =	sadd.s32 $0x980, s19;
	s20 =	sadd.s32 s4, s20  }
0xc7: {  	[tilespmem:s19], [sflag:$0x1] =	stream.linear.gather [hbm4b:s20+s2], $0x80, $0x38;
	[tilespmem:$0x10200] =	vst v63  }
0xc8: {  	_ =	swait.ge [sflag:s14], $0x10000  }
0xc9: {  	[sflag:s14] =	ssyncset.done $0x0  }
0xca: {  	s17 =	simm.s32 $0x0;
	[sflag:s14] =	ssyncadd.s32 $0xFFFF0000  }
0xcb: {  	[hbm4b:s9+s17] =	stream.linear.scatter [tilespmem:s15], [sflag:$0x2], $0x10000, $0x38;
	[tilespmem:$0x10200] =	vst v63  }
0xcc: {  	_ =	swait.ge [sflag:s13], $0x10000  }
0xcd: {  	[sflag:s13] =	ssyncset.done $0x0  }
0xce: {  	[sflag:s13] =	ssyncadd.s32 $0xFFFF0000  }
0xcf: {  	[tilespmem:s17], [sflag:$0x2] =	stream.linear.gather [hbm4b:s10+s17], $0x200, $0x38;
	[tilespmem:$0x10200] =	vst v63  }
0xd0: {  	_ =	swait.ge [sflag:s13], $0x200  }
0xd1: {  	[sflag:s13] =	ssyncset.done $0x0  }
0xd2: {  	s18 =	simm.s32 $0x0;
	[sflag:s13] =	ssyncadd.s32 $0xFFFFFE00  }
.LBB2_6:
0xd3: {  	v0 =	vld [tilespmem:s17+$0x0];
	_ =	sdelay $0x4  }
0xd4: {  	v1 =	vshrl.u32 v0, $0x3  }
0xd5: {  	v0 =	vand.u32 $0x7, v0;
	v1 =	vshll.u32 v1, $0xA  }
0xd6: {  	v0 =	vshll.u32 v0, $0x7;
	(v2sf) =	vpush v1, $0x0  }
0xd7: {  	(v2sf) =	vpush v0, $0x0;
	_ =	sdelay $0x2  }
0xd8: {  	(v2sf) =	vpush v1, $0x1  }
0xd9: {  	(v2sf) =	vpush v0, $0x1;
	_ =	sdelay $0x1  }
0xda: {  	(v2sf) =	vpush v1, $0x2;
	_ =	sdelay $0x1  }
0xdb: {  	(v2sf) =	vpush v0, $0x2;
	_ =	sdelay $0x5  }
0xdc: {  	s19 =	spop (v2sf);
	(v2sf) =	vpush v1, $0x3  }
0xdd: {  	s20 =	spop (v2sf);
	(v2sf) =	vpush v0, $0x3;
	_ =	sdelay $0x2  }
0xde: {  	s23 =	spop (v2sf);
	(v2sf) =	vpush v1, $0x4  }
0xdf: {  	s24 =	spop (v2sf);
	(v2sf) =	vpush v0, $0x4;
	_ =	sdelay $0x1  }
0xe0: {  	s26 =	spop (v2sf);
	(v2sf) =	vpush v1, $0x5;
	_ =	sdelay $0x1  }
0xe1: {  	s28 =	spop (v2sf);
	(v2sf) =	vpush v0, $0x5;
	_ =	sdelay $0x1  }
0xe2: {  	s20 =	sor.u32 s20, s19  }
0xe3: {  	s19 =	sshra.s32 s18, $0x2;
	s20 =	sshrl.u32 s20, $0x3  }
0xe4: {  	s21 =	sadd.s32 $0x200, s19;
	s20 =	sadd.s32 s5, s20  }
0xe5: {  	[tilespmem:s21], [sflag:$0x1] =	stream.linear.gather [hbm4b:s20+s2], $0x80, $0x38;
	[tilespmem:$0x10200] =	vst v63  }
0xe6: {  	s20 =	sor.u32 s24, s23;
	s30 =	spop (v2sf);
	(v2sf) =	vpush v1, $0x6  }
0xe7: {  	s20 =	sshrl.u32 s20, $0x3;
	s31 =	spop (v2sf);
	(v2sf) =	vpush v0, $0x6  }
0xe8: {  	s25 =	sadd.s32 $0x280, s19;
	s20 =	sadd.s32 s5, s20  }
0xe9: {  	[tilespmem:s25], [sflag:$0x1] =	stream.linear.gather [hbm4b:s20+s2], $0x80, $0x38;
	[tilespmem:$0x10200] =	vst v63  }
0xea: {  	s23 =	spop (v2sf);
	(v2sf) =	vpush v1, $0x7  }
0xeb: {  	s20 =	sor.u32 s28, s26;
	s24 =	spop (v2sf);
	(v2sf) =	vpush v0, $0x7  }
0xec: {  	s20 =	sshrl.u32 s20, $0x3  }
0xed: {  	s29 =	sadd.s32 $0x300, s19;
	s20 =	sadd.s32 s5, s20;
	s26 =	spop (v2sf);
	(v2sf) =	vpush v1, $0x8  }
0xee: {  	[tilespmem:s29], [sflag:$0x1] =	stream.linear.gather [hbm4b:s20+s2], $0x80, $0x38;
	[tilespmem:$0x10200] =	vst v63  }
0xef: {  	s28 =	spop (v2sf);
	(v2sf) =	vpush v0, $0x8  }
0xf0: {  	s20 =	sor.u32 s31, s30  }
0xf1: {  	s20 =	sshrl.u32 s20, $0x3  }
0xf2: {  	s22 =	sadd.s32 $0x380, s19;
	s20 =	sadd.s32 s5, s20  }
0xf3: {  	[tilespmem:s22], [sflag:$0x1] =	stream.linear.gather [hbm4b:s20+s2], $0x80, $0x38;
	[tilespmem:$0x10200] =	vst v63  }
0xf4: {  	s20 =	sor.u32 s24, s23  }
0xf5: {  	s20 =	sshrl.u32 s20, $0x3;
	s30 =	spop (v2sf);
	(v2sf) =	vpush v1, $0x9  }
0xf6: {  	s25 =	sadd.s32 $0x400, s19;
	s20 =	sadd.s32 s5, s20;
	s31 =	spop (v2sf);
	(v2sf) =	vpush v0, $0x9  }
0xf7: {  	[tilespmem:s25], [sflag:$0x1] =	stream.linear.gather [hbm4b:s20+s2], $0x80, $0x38;
	[tilespmem:$0x10200] =	vst v63  }
0xf8: {  	s20 =	sor.u32 s28, s26  }
0xf9: {  	s20 =	sshrl.u32 s20, $0x3;
	s23 =	spop (v2sf);
	(v2sf) =	vpush v1, $0xA  }
0xfa: {  	s29 =	sadd.s32 $0x480, s19;
	s20 =	sadd.s32 s5, s20;
	s24 =	spop (v2sf);
	(v2sf) =	vpush v0, $0xA  }
0xfb: {  	[tilespmem:s29], [sflag:$0x1] =	stream.linear.gather [hbm4b:s20+s2], $0x80, $0x38;
	[tilespmem:$0x10200] =	vst v63  }
0xfc: {  	s20 =	sor.u32 s31, s30;
	s26 =	spop (v2sf);
	(v2sf) =	vpush v1, $0xB  }
0xfd: {  	s20 =	sshrl.u32 s20, $0x3  }
0xfe: {  	s22 =	sadd.s32 $0x500, s19;
	s20 =	sadd.s32 s5, s20;
	s28 =	spop (v2sf);
	(v2sf) =	vpush v0, $0xB  }
0xff: {  	[tilespmem:s22], [sflag:$0x1] =	stream.linear.gather [hbm4b:s20+s2], $0x80, $0x38;
	[tilespmem:$0x10200] =	vst v63  }
0x100: {  	s20 =	sor.u32 s24, s23  }
0x101: {  	s20 =	sshrl.u32 s20, $0x3  }
0x102: {  	s25 =	sadd.s32 $0x580, s19;
	s20 =	sadd.s32 s5, s20  }
0x103: {  	[tilespmem:s25], [sflag:$0x1] =	stream.linear.gather [hbm4b:s20+s2], $0x80, $0x38;
	[tilespmem:$0x10200] =	vst v63  }
0x104: {  	s20 =	sor.u32 s28, s26;
	s30 =	spop (v2sf);
	(v2sf) =	vpush v1, $0xC  }
0x105: {  	s20 =	sshrl.u32 s20, $0x3;
	s31 =	spop (v2sf);
	(v2sf) =	vpush v0, $0xC  }
0x106: {  	s29 =	sadd.s32 $0x600, s19;
	s20 =	sadd.s32 s5, s20  }
0x107: {  	[tilespmem:s29], [sflag:$0x1] =	stream.linear.gather [hbm4b:s20+s2], $0x80, $0x38;
	[tilespmem:$0x10200] =	vst v63  }
0x108: {  	s23 =	spop (v2sf);
	(v2sf) =	vpush v1, $0xD  }
0x109: {  	s20 =	sor.u32 s31, s30;
	s24 =	spop (v2sf);
	(v2sf) =	vpush v0, $0xD  }
0x10a: {  	s20 =	sshrl.u32 s20, $0x3  }
0x10b: {  	s22 =	sadd.s32 $0x680, s19;
	s20 =	sadd.s32 s5, s20;
	s26 =	spop (v2sf)  }
0x10c: {  	(v2sf) =	vpush v1, $0xE;
	[tilespmem:s22], [sflag:$0x1] =	stream.linear.gather [hbm4b:s20+s2], $0x80, $0x38;
	[tilespmem:$0x10200] =	vst v63  }
0x10d: {  	s28 =	spop (v2sf);
	(v2sf) =	vpush v0, $0xE  }
0x10e: {  	s20 =	sor.u32 s24, s23  }
0x10f: {  	s20 =	sshrl.u32 s20, $0x3  }
0x110: {  	s25 =	sadd.s32 $0x700, s19;
	s20 =	sadd.s32 s5, s20  }
0x111: {  	[tilespmem:s25], [sflag:$0x1] =	stream.linear.gather [hbm4b:s20+s2], $0x80, $0x38;
	[tilespmem:$0x10200] =	vst v63  }
0x112: {  	s20 =	sor.u32 s28, s26  }
0x113: {  	s20 =	sshrl.u32 s20, $0x3;
	s30 =	spop (v2sf);
	(v2sf) =	vpush v1, $0xF  }
0x114: {  	s29 =	sadd.s32 $0x780, s19;
	s20 =	sadd.s32 s5, s20;
	s31 =	spop (v2sf);
	(v2sf) =	vpush v0, $0xF  }
0x115: {  	[tilespmem:s29], [sflag:$0x1] =	stream.linear.gather [hbm4b:s20+s2], $0x80, $0x38;
	[tilespmem:$0x10200] =	vst v63  }
0x116: {  	s20 =	sor.u32 s31, s30  }
0x117: {  	s23 =	spop (v2sf);
	s20 =	sshrl.u32 s20, $0x3  }
0x118: {  	s22 =	sadd.s32 $0x800, s19;
	s24 =	spop (v2sf);
	s20 =	sadd.s32 s5, s20  }
0x119: {  	[tilespmem:s22], [sflag:$0x1] =	stream.linear.gather [hbm4b:s20+s2], $0x80, $0x38;
	[tilespmem:$0x10200] =	vst v63  }
0x11a: {  	s20 =	sor.u32 s24, s23  }
0x11b: {  	s26 =	spop (v2sf);
	s20 =	sshrl.u32 s20, $0x3  }
0x11c: {  	s25 =	sadd.s32 $0x880, s19;
	s28 =	spop (v2sf);
	s20 =	sadd.s32 s5, s20  }
0x11d: {  	[tilespmem:s25], [sflag:$0x1] =	stream.linear.gather [hbm4b:s20+s2], $0x80, $0x38;
	[tilespmem:$0x10200] =	vst v63  }
0x11e: {  	s20 =	sor.u32 s28, s26  }
0x11f: {  	s20 =	sshrl.u32 s20, $0x3  }
0x120: {  	s29 =	sadd.s32 $0x900, s19;
	s20 =	sadd.s32 s5, s20  }
0x121: {  	[tilespmem:s29], [sflag:$0x1] =	stream.linear.gather [hbm4b:s20+s2], $0x80, $0x38;
	[tilespmem:$0x10200] =	vst v63  }
0x122: {  	p0 =	sne.s32 s18, $0x3E000;
	s30 =	spop (v2sf)  }
.Ltmp2:
0x123: {  	s31 =	spop (v2sf);
	(pc) =	sbr.rel @p0 .LBB2_6-.Ltmp2, $4  }
0x124: {  	s20 =	sor.u32 s31, s30  }
0x125: {  	s17 =	sadd.s32 $0x10, s17;
	s20 =	sshrl.u32 s20, $0x3  }
0x126: {  	s18 =	sadd.s32 $0x2000, s18;
	s19 =	sadd.s32 $0x980, s19;
	s20 =	sadd.s32 s5, s20  }
0x127: {  	[tilespmem:s19], [sflag:$0x1] =	stream.linear.gather [hbm4b:s20+s2], $0x80, $0x38;
	[tilespmem:$0x10200] =	vst v63  }
0x128: {  	_ =	swait.ge [sflag:s14], $0x10000;
	s16 =	sadd.s32 $0x1, s16  }
0x129: {  	[sflag:s14] =	ssyncset.done $0x0;
	p0 =	sne.s32 s16, s12  }
.Ltmp3:
0x12a: {  	[sflag:s14] =	ssyncadd.s32 $0xFFFF0000;
	(pc) =	sbr.rel @p0 .LBB2_1-.Ltmp3, $4  }
0x12b: {  	[hbm4b:s11+s2] =	stream.linear.scatter [tilespmem:s15], [sflag:$0x2], $0x10000, $0x38;
	[tilespmem:$0x10200] =	vst v63  }
0x12c: {  	_ =	swait.ge [sflag:s13], $0x10000  }
0x12d: {  	[sflag:s13] =	ssyncset.done $0x0  }
0x12e: {  	[sflag:s13] =	ssyncadd.s32 $0xFFFF0000  }
0x12f: {  	_ =	sfence.sel $0x180000  }
0x130: {  	[bflag:$0x0] =	sbarrier.arrive $0xFFFF  }
0x131: {  	p0 =	sne.s32 s1, $0x0;
	_ =	strace $0x90000047  }
0x132: {  	s0 =	sadd.s32 @!p0 $0x100000, s0;
	[bflag:$0x2] =	sbarrier.arrive $0xFFFF  }
0x133: {  	[sflag:s0] =	ssyncadd.tile.s32 @!p0 $0x1;
	_ =	shalt  }
.Lfunc_end2:
_tile_overlayer_lowered:
.L_overlay_start_2:
0x134: {  	(tag) =	ssettag $0x2  }
0x135: {  	s0 =	rddreg [dreg:$0x0];
	s2 =	stileid.u32  }
0x136: {  	s1 =	rddreg [dreg:$0x1];
	p0 =	sne.s32 s2, $0x0  }
0x137: {  	s3 =	rddreg [dreg:$0x2];
	[bflag:$0x3] =	sbarrier.arrive $0xFFFF;
	s2 =	simm.s32 @!p0 $0x1C02  }
0x138: {  	[timem:s3], [sflag:s2] =	dma.local @!p0 [hbm:s0], s1  }
0x139: {  	s0 =	simm.s32 @!p0 $0x2  }
0x13a: {  	_ =	swait.ge @!p0 [sflag:s0], s1  }
0x13b: {  	s1 =	ssub.s32 @!p0 $0x0, s1;
	[sflag:s0] =	ssyncset.done @!p0 $0x0  }
0x13c: {  	[sflag:s0] =	ssyncadd.s32 @!p0 s1  }
0x13d: {  	[bflag:$0x3] =	sbarrier.arrive $0xFFFF  }
0x13e: {  	_ =	shalt  }

</sc_bundles>
